<compile_context>
chip_gen: v7x
topology: tpu7x:2x2x1
jax: 0.10.2.dev20260603
libtpu: 0.0.44.dev20260713+nightly
codegen_flags: <defaults>
</compile_context>

<pallas_src>
import functools

import jax
import jax.numpy as jnp
from jax import lax
from jax.experimental import pallas as pl
from jax.experimental.pallas import tpu as pltpu
from jax.experimental.pallas import tpu_sc as plsc

N = 10000
NPAD = 10112
E = 320000
EPT = 10112
NB = 79
BATCH = 128
SHARE = NPAD // 16
BM = 1264
H = 128
WC = 16

_MESH = plsc.VectorSubcoreMesh(core_axis_name="c", subcore_axis_name="s")


def _agg_call(hp, sd):

    @functools.partial(
        pl.kernel,
        mesh=_MESH,
        out_type=jax.ShapeDtypeStruct((2, NPAD, H), jnp.float32),
        scratch_types=[
            pltpu.VMEM((2, BATCH), jnp.int32),
            pltpu.VMEM((2, BATCH), jnp.int32),
            pltpu.VMEM((BATCH, H), jnp.float32),
            pltpu.VMEM((BATCH, H), jnp.float32),
            pltpu.VMEM_SHARED((NPAD, H), jnp.float32),
            pltpu.SemaphoreType.DMA,
            pltpu.SemaphoreType.DMA,
            pltpu.SemaphoreType.DMA,
            pltpu.SemaphoreType.DMA,
        ],
    )
    def agg(hp_hbm, sd_hbm, out_hbm,
            sdb0, sdb1, buf0, buf1, acc_sh, gsem0, gsem1, isem0, isem1):
        c = lax.axis_index("c")
        s = lax.axis_index("s")
        wid = c * 16 + s
        base = s * SHARE
        pltpu.sync_copy(hp_hbm.at[pl.ds(base, SHARE)],
                        acc_sh.at[pl.ds(base, SHARE)])
        plsc.subcore_barrier()

        def idx_start(j, sdb, isem):
            pltpu.async_copy(sd_hbm.at[wid, j], sdb, isem)

        def idx_wait(j, sdb, isem):
            pltpu.make_async_copy(sd_hbm.at[wid, j], sdb, isem).wait()

        def gather_start(sdb, buf, gsem):
            pltpu.async_copy(hp_hbm.at[sdb.at[0]], buf, gsem)

        def gather_wait(sdb, buf, gsem):
            pltpu.make_async_copy(hp_hbm.at[sdb.at[0]], buf, gsem).wait()

        def scat(sdb, buf):
            pltpu.sync_copy(buf, acc_sh.at[sdb.at[1]], add=True)

        pltpu.sync_copy(sd_hbm.at[wid, 0], sdb0)
        gather_start(sdb0, buf0, gsem0)
        idx_start(1, sdb1, isem1)

        def body(i, carry):
            j1 = 2 * i + 1
            j2 = 2 * i + 2
            j3 = 2 * i + 3

            @pl.when(j1 < NB)
            def _():
                idx_wait(j1, sdb1, isem1)
                gather_start(sdb1, buf1, gsem1)

            gather_wait(sdb0, buf0, gsem0)
            scat(sdb0, buf0)

            @pl.when(j2 < NB)
            def _():
                idx_start(j2, sdb0, isem0)

            @pl.when(j1 < NB)
            def _():
                @pl.when(j2 < NB)
                def _():
                    idx_wait(j2, sdb0, isem0)
                    gather_start(sdb0, buf0, gsem0)

                gather_wait(sdb1, buf1, gsem1)
                scat(sdb1, buf1)

                @pl.when(j3 < NB)
                def _():
                    idx_start(j3, sdb1, isem1)

            return carry

        lax.fori_loop(0, (NB + 1) // 2, body, 0)
        plsc.subcore_barrier()
        pltpu.sync_copy(acc_sh.at[pl.ds(base, SHARE)],
                        out_hbm.at[c, pl.ds(base, SHARE)])

    return agg(hp, sd)


def _deg_call(dstg, zer, one):

    @functools.partial(
        pl.kernel,
        mesh=_MESH,
        out_type=jax.ShapeDtypeStruct((2, NPAD, WC), jnp.float32),
        scratch_types=[
            pltpu.VMEM((NB, BATCH), jnp.int32),
            pltpu.VMEM((BATCH, WC), jnp.float32),
            pltpu.VMEM_SHARED((NPAD, WC), jnp.float32),
        ],
    )
    def deg(dst_hbm, zer_hbm, one_hbm, out_hbm, dst_v, ones_v, acc_sh):
        c = lax.axis_index("c")
        s = lax.axis_index("s")
        wid = c * 16 + s
        pltpu.sync_copy(dst_hbm.at[wid], dst_v)
        pltpu.sync_copy(one_hbm, ones_v)
        base = s * SHARE
        pltpu.sync_copy(zer_hbm, acc_sh.at[pl.ds(base, SHARE)])
        plsc.subcore_barrier()

        def body(j, carry):
            pltpu.sync_copy(ones_v, acc_sh.at[dst_v.at[j]], add=True)
            return carry

        lax.fori_loop(0, NB, body, 0)
        plsc.subcore_barrier()
        pltpu.sync_copy(acc_sh.at[pl.ds(base, SHARE)],
                        out_hbm.at[c, pl.ds(base, SHARE)])

    return deg(dstg, zer, one)


def _row_spec(w):
    return pl.BlockSpec((BM, w), lambda i: (i, 0))


def _full_spec(r, c):
    return pl.BlockSpec((r, c), lambda i: (0, 0))


def _k1_body(x_ref, w_ref, d0_ref, d1_ref, hp_ref, dinvb_ref):
    deg = d0_ref[:, :1] + d1_ref[:, :1] + 1.0
    dinv = lax.rsqrt(deg)
    dinvb = jnp.broadcast_to(dinv, (BM, H))
    hp_ref[...] = dinvb * jnp.dot(x_ref[...], w_ref[...],
                                  preferred_element_type=jnp.float32)
    dinvb_ref[...] = dinvb


def _k1(xp, W0, d0, d1):
    return pl.pallas_call(
        _k1_body,
        grid=(NPAD // BM,),
        in_specs=[_row_spec(H), _full_spec(H, H), _row_spec(WC), _row_spec(WC)],
        out_specs=[_row_spec(H), _row_spec(H)],
        out_shape=[jax.ShapeDtypeStruct((NPAD, H), jnp.float32),
                   jax.ShapeDtypeStruct((NPAD, H), jnp.float32)],
    )(xp, W0, d0, d1)


def _k2_body(a0_ref, a1_ref, hp_ref, dinvb_ref, b_ref, w_ref, o_ref):
    pre = (a0_ref[...] + a1_ref[...] - hp_ref[...]) * dinvb_ref[...] + b_ref[...]
    x1 = jnp.maximum(pre, 0.0)
    o_ref[...] = dinvb_ref[...] * jnp.dot(x1, w_ref[...],
                                          preferred_element_type=jnp.float32)


def _k2(a0, a1, hp, dinvb, brow, W):
    return pl.pallas_call(
        _k2_body,
        grid=(NPAD // BM,),
        in_specs=[_row_spec(H), _row_spec(H), _row_spec(H), _row_spec(H),
                  _full_spec(1, H), _full_spec(H, H)],
        out_specs=_row_spec(H),
        out_shape=jax.ShapeDtypeStruct((NPAD, H), jnp.float32),
    )(a0, a1, hp, dinvb, brow, W)


def _k4_body(a0_ref, a1_ref, hp_ref, dinvb_ref, b_ref, o_ref):
    o_ref[...] = ((a0_ref[...] + a1_ref[...] - hp_ref[...]) * dinvb_ref[...]
                  + b_ref[...])


def _k4(a0, a1, hp, dinvb, brow):
    return pl.pallas_call(
        _k4_body,
        grid=(NPAD // BM,),
        in_specs=[_row_spec(H), _row_spec(H), _row_spec(H), _row_spec(H),
                  _full_spec(1, H)],
        out_specs=_row_spec(H),
        out_shape=jax.ShapeDtypeStruct((NPAD, H), jnp.float32),
    )(a0, a1, hp, dinvb, brow)


def kernel(x, edge_index, W0, b0, W1, b1, W2, b2):
    nc = W2.shape[1]
    ei = edge_index.astype(jnp.int32)
    pad_e = 32 * EPT - E
    fill = jnp.full((pad_e,), N, jnp.int32)
    srcg = jnp.concatenate([ei[0], fill]).reshape(32, NB, BATCH)
    dstg = jnp.concatenate([ei[1], fill]).reshape(32, NB, BATCH)
    xp = jnp.pad(x, ((0, NPAD - N), (0, 0)))
    zer = jnp.zeros((SHARE, WC), jnp.float32)
    one = jnp.ones((BATCH, WC), jnp.float32)
    W2p = jnp.pad(W2, ((0, 0), (0, H - nc)))
    b0r = b0.reshape(1, H)
    b1r = b1.reshape(1, H)
    b2r = jnp.pad(b2, (0, H - nc)).reshape(1, H)

    sd = jnp.stack([srcg, dstg], axis=2)
    d = _deg_call(dstg, zer, one)
    hp0, dinvb = _k1(xp, W0, d[0], d[1])
    acc = _agg_call(hp0, sd)
    hp1 = _k2(acc[0], acc[1], hp0, dinvb, b0r, W1)
    acc = _agg_call(hp1, sd)
    hp2 = _k2(acc[0], acc[1], hp1, dinvb, b1r, W2p)
    acc = _agg_call(hp2, sd)
    out = _k4(acc[0], acc[1], hp2, dinvb, b2r)
    return out[:N, :nc]

# --- scband reference (transcript-rebuilt; emitter-appended) ---
"""Pipeline reference for scband-gcn-50405736186128 (READ-ONLY COPY).

The authoritative reference and input builder live on the scoring server;
editing this copy changes nothing except your own understanding.
"""

import jax, jax.numpy as jnp
import numpy as np

N_NODES = 10000
N_EDGES = 320000
D_FEAT = 128
HIDDEN = 128
N_CLASSES = 7


def setup_inputs(seed: int = 0) -> dict:
    key = jax.random.key(seed)
    k = jax.random.split(key, 8)
    x = jax.random.normal(k[0], (N_NODES, D_FEAT), dtype=jnp.float32)
    edge_index = jax.random.randint(k[1], (2, N_EDGES), 0, N_NODES, dtype=jnp.int64)
    # GCNConv layers: dims [D_FEAT] + [HIDDEN]*2 + [N_CLASSES]
    s0 = 1.0 / np.sqrt(D_FEAT)
    s1 = 1.0 / np.sqrt(HIDDEN)
    W0 = jax.random.uniform(k[2], (D_FEAT, HIDDEN), jnp.float32, -s0, s0)
    b0 = jnp.zeros((HIDDEN,), jnp.float32)
    W1 = jax.random.uniform(k[3], (HIDDEN, HIDDEN), jnp.float32, -s1, s1)
    b1 = jnp.zeros((HIDDEN,), jnp.float32)
    W2 = jax.random.uniform(k[4], (HIDDEN, N_CLASSES), jnp.float32, -s1, s1)
    b2 = jnp.zeros((N_CLASSES,), jnp.float32)
    return {"x": x, "edge_index": edge_index, "W0": W0, "b0": b0, "W1": W1, "b1": b1, "W2": W2, "b2": b2}


def _gcn_norm(edge_index, n, dtype):
    # add self-loops, symmetric normalization D^-1/2 (A+I) D^-1/2
    loop = jnp.arange(n, dtype=edge_index.dtype)
    src = jnp.concatenate([edge_index[0], loop])
    dst = jnp.concatenate([edge_index[1], loop])
    deg = jax.ops.segment_sum(jnp.ones_like(src, dtype=dtype), dst, num_segments=n)
    dinv = jnp.where(deg > 0, 1.0 / jnp.sqrt(deg), 0.0)
    norm = dinv[src] * dinv[dst]
    return src, dst, norm


def _gcn_layer(x, src, dst, norm, W, b, n):
    h = x @ W
    msg = h[src] * norm[:, None]
    out = jax.ops.segment_sum(msg, dst, num_segments=n)
    return out + b


def reference(x, edge_index, W0, b0, W1, b1, W2, b2):
    n = x.shape[0]
    src, dst, norm = _gcn_norm(edge_index, n, x.dtype)
    h = jax.nn.relu(_gcn_layer(x, src, dst, norm, W0, b0, n))
    h = jax.nn.relu(_gcn_layer(h, src, dst, norm, W1, b1, n))
    out = _gcn_layer(h, src, dst, norm, W2, b2, n)
    return out

if __name__ == "__main__":
    import jax
    _d = setup_inputs()
    print(jax.jit(kernel)(*tuple(_d.values())))

</pallas_src>

<mosaic_0001>
#map = affine_map<(d0, d1) -> (0, 0, 0)>
#map1 = affine_map<(d0, d1) -> (0, 0)>
module attributes {stable_mosaic.version = 14 : i64} {
  func.func @deg(%arg0: i32, %arg1: i32, %arg2: memref<32x79x128xi32, #tpu.memory_space<hbm>>, %arg3: memref<632x16xf32, #tpu.memory_space<hbm>>, %arg4: memref<128x16xf32, #tpu.memory_space<hbm>>, %arg5: memref<2x10112x16xf32, #tpu.memory_space<hbm>>, %arg6: memref<79x128xi32, #tpu.memory_space<vmem>>, %arg7: memref<128x16xf32, #tpu.memory_space<vmem>>, %arg8: memref<10112x16xf32, #tpu.memory_space<vmem_shared>>) attributes {dimension_semantics = [#tpu.dimension_semantics<core_parallel>, #tpu.dimension_semantics<subcore_parallel>], iteration_bounds = array<i64: 2, 16>, scalar_prefetch = 0 : i64, scratch_operands = 3 : i64, tpu.core_type = #tpu.core_type<sc_vector_subcore>, window_params = [{transform_indices = #map}, {transform_indices = #map1}, {transform_indices = #map1}, {transform_indices = #map}]} {
    %mul3A = arith.constant 16 : i32
    %mul3A_0 = arith.muli %arg0, %mul3A : i32
    %add3A = arith.addi %mul3A_0, %arg1 : i32
    "tpu.region"() ({
      %run_scoped3A = tpu.sem_alloc : memref<!tpu.dma_semaphore, #tpu.memory_space<semaphore_mem>>
      %dma_start3A = arith.constant 0 : i32
      %dma_start3A_9 = arith.constant 0 : i32
      %dma_start3A_10 = tpu.memref_slice %arg2[%add3A, %dma_start3A, %dma_start3A_9] : memref<32x79x128xi32, #tpu.memory_space<hbm>> -> memref<1x79x128xi32, #tpu.memory_space<hbm>>
      %dma_start3A_11 = tpu.memref_squeeze %dma_start3A_10 : memref<1x79x128xi32, #tpu.memory_space<hbm>> -> memref<79x128xi32, #tpu.memory_space<hbm>>
      %dma_start3A_12 = arith.constant 0 : i32
      %dma_start3A_13 = arith.constant 0 : i32
      %dma_start3A_14 = tpu.memref_slice %arg2[%add3A, %dma_start3A_12, %dma_start3A_13] : memref<32x79x128xi32, #tpu.memory_space<hbm>> -> memref<1x79x128xi32, #tpu.memory_space<hbm>>
      %dma_start3A_15 = tpu.memref_squeeze %dma_start3A_14 : memref<1x79x128xi32, #tpu.memory_space<hbm>> -> memref<79x128xi32, #tpu.memory_space<hbm>>
      tpu.enqueue_dma source(%dma_start3A_15 : memref<79x128xi32, #tpu.memory_space<hbm>>) target(%arg6 : memref<79x128xi32, #tpu.memory_space<vmem>>) target_semaphore(%run_scoped3A : memref<!tpu.dma_semaphore, #tpu.memory_space<semaphore_mem>>)
      %dma_wait3A = arith.constant 0 : i32
      %dma_wait3A_16 = arith.constant 0 : i32
      %dma_wait3A_17 = tpu.memref_slice %arg2[%add3A, %dma_wait3A, %dma_wait3A_16] : memref<32x79x128xi32, #tpu.memory_space<hbm>> -> memref<1x79x128xi32, #tpu.memory_space<hbm>>
      %dma_wait3A_18 = tpu.memref_squeeze %dma_wait3A_17 : memref<1x79x128xi32, #tpu.memory_space<hbm>> -> memref<79x128xi32, #tpu.memory_space<hbm>>
      %dma_wait3A_19 = arith.constant 0 : i32
      %dma_wait3A_20 = arith.constant 0 : i32
      %dma_wait3A_21 = tpu.memref_slice %arg2[%add3A, %dma_wait3A_19, %dma_wait3A_20] : memref<32x79x128xi32, #tpu.memory_space<hbm>> -> memref<1x79x128xi32, #tpu.memory_space<hbm>>
      %dma_wait3A_22 = tpu.memref_squeeze %dma_wait3A_21 : memref<1x79x128xi32, #tpu.memory_space<hbm>> -> memref<79x128xi32, #tpu.memory_space<hbm>>
      tpu.wait_dma2 semaphore(%run_scoped3A : memref<!tpu.dma_semaphore, #tpu.memory_space<semaphore_mem>>) src(%dma_wait3A_22 : memref<79x128xi32, #tpu.memory_space<hbm>>) dst(%arg6 : memref<79x128xi32, #tpu.memory_space<vmem>>)
      tpu.yield
    }) : () -> ()
    "tpu.region"() ({
      %run_scoped3A = tpu.sem_alloc : memref<!tpu.dma_semaphore, #tpu.memory_space<semaphore_mem>>
      tpu.enqueue_dma source(%arg4 : memref<128x16xf32, #tpu.memory_space<hbm>>) target(%arg7 : memref<128x16xf32, #tpu.memory_space<vmem>>) target_semaphore(%run_scoped3A : memref<!tpu.dma_semaphore, #tpu.memory_space<semaphore_mem>>)
      tpu.wait_dma2 semaphore(%run_scoped3A : memref<!tpu.dma_semaphore, #tpu.memory_space<semaphore_mem>>) src(%arg4 : memref<128x16xf32, #tpu.memory_space<hbm>>) dst(%arg7 : memref<128x16xf32, #tpu.memory_space<vmem>>)
      tpu.yield
    }) : () -> ()
    %mul3A_1 = arith.constant 632 : i32
    %mul3A_2 = arith.muli %arg1, %mul3A_1 : i32
    "tpu.region"() ({
      %run_scoped3A = tpu.sem_alloc : memref<!tpu.dma_semaphore, #tpu.memory_space<semaphore_mem>>
      %dma_start3A = arith.constant 0 : i32
      %dma_start3A_9 = tpu.memref_slice %arg8[%mul3A_2, %dma_start3A] : memref<10112x16xf32, #tpu.memory_space<vmem_shared>> -> memref<632x16xf32, #tpu.memory_space<vmem_shared>>
      tpu.enqueue_dma source(%arg3 : memref<632x16xf32, #tpu.memory_space<hbm>>) target(%dma_start3A_9 : memref<632x16xf32, #tpu.memory_space<vmem_shared>>) target_semaphore(%run_scoped3A : memref<!tpu.dma_semaphore, #tpu.memory_space<semaphore_mem>>)
      %dma_wait3A = arith.constant 0 : i32
      %dma_wait3A_10 = tpu.memref_slice %arg8[%mul3A_2, %dma_wait3A] : memref<10112x16xf32, #tpu.memory_space<vmem_shared>> -> memref<632x16xf32, #tpu.memory_space<vmem_shared>>
      tpu.wait_dma2 semaphore(%run_scoped3A : memref<!tpu.dma_semaphore, #tpu.memory_space<semaphore_mem>>) src(%arg3 : memref<632x16xf32, #tpu.memory_space<hbm>>) dst(%dma_wait3A_10 : memref<632x16xf32, #tpu.memory_space<vmem_shared>>)
      tpu.yield
    }) : () -> ()
    %barrier3A = arith.constant 0 : index
    tpu.barrier barrier_id(%barrier3A)
    %scan3A = arith.constant 0 : i32
    %scan3A_3 = arith.constant 0 : i32
    %scan3A_4 = arith.constant 79 : i32
    %scan3A_5 = arith.addi %scan3A_3, %scan3A_4 : i32
    %scan3A_6 = arith.constant 1 : i32
    scf.for %scan3A_9 = %scan3A_3 to %scan3A_5 step %scan3A_6  : i32 {
      "tpu.region"() ({
        %run_scoped3A = tpu.sem_alloc : memref<!tpu.dma_semaphore, #tpu.memory_space<semaphore_mem>>
        %dma_start3A = arith.constant 0 : i32
        %dma_start3A_10 = tpu.memref_slice %arg6[%scan3A_9, %dma_start3A] : memref<79x128xi32, #tpu.memory_space<vmem>> -> memref<1x128xi32, #tpu.memory_space<vmem>>
        %dma_start3A_11 = tpu.memref_squeeze %dma_start3A_10 : memref<1x128xi32, #tpu.memory_space<vmem>> -> memref<128xi32, #tpu.memory_space<vmem>>
        %dma_start3A_12 = arith.constant 0 : i32
        %dma_start3A_13 = arith.constant 0 : i32
        %dma_start3A_14 = tpu.memref_slice %arg8[%dma_start3A_12, %dma_start3A_13] : memref<10112x16xf32, #tpu.memory_space<vmem_shared>> -> memref<10112x16xf32, #tpu.memory_space<vmem_shared>>
        tpu.enqueue_indirect_dma source(%arg7 : memref<128x16xf32, #tpu.memory_space<vmem>>) target(%dma_start3A_14 : memref<10112x16xf32, #tpu.memory_space<vmem_shared>>) offsets(%dma_start3A_11 : memref<128xi32, #tpu.memory_space<vmem>>) semaphore(%run_scoped3A : memref<!tpu.dma_semaphore, #tpu.memory_space<semaphore_mem>>) {add = true}
        %dma_wait3A = arith.constant 0 : i32
        %dma_wait3A_15 = tpu.memref_slice %arg6[%scan3A_9, %dma_wait3A] : memref<79x128xi32, #tpu.memory_space<vmem>> -> memref<1x128xi32, #tpu.memory_space<vmem>>
        %dma_wait3A_16 = tpu.memref_squeeze %dma_wait3A_15 : memref<1x128xi32, #tpu.memory_space<vmem>> -> memref<128xi32, #tpu.memory_space<vmem>>
        %dma_wait3A_17 = arith.constant 0 : i32
        %dma_wait3A_18 = arith.constant 0 : i32
        %dma_wait3A_19 = tpu.memref_slice %arg8[%dma_wait3A_17, %dma_wait3A_18] : memref<10112x16xf32, #tpu.memory_space<vmem_shared>> -> memref<10112x16xf32, #tpu.memory_space<vmem_shared>>
        tpu.wait_indirect_dma semaphore(%run_scoped3A : memref<!tpu.dma_semaphore, #tpu.memory_space<semaphore_mem>>) src(%arg7 : memref<128x16xf32, #tpu.memory_space<vmem>>) dst(%dma_wait3A_19 : memref<10112x16xf32, #tpu.memory_space<vmem_shared>>)
        tpu.yield
      }) : () -> ()
    }
    %scan3A_7 = arith.constant 79 : i32
    %barrier3A_8 = arith.constant 0 : index
    tpu.barrier barrier_id(%barrier3A_8)
    "tpu.region"() ({
      %run_scoped3A = tpu.sem_alloc : memref<!tpu.dma_semaphore, #tpu.memory_space<semaphore_mem>>
      %dma_start3A = arith.constant 0 : i32
      %dma_start3A_9 = tpu.memref_slice %arg5[%arg0, %mul3A_2, %dma_start3A] : memref<2x10112x16xf32, #tpu.memory_space<hbm>> -> memref<1x632x16xf32, #tpu.memory_space<hbm>>
      %dma_start3A_10 = tpu.memref_squeeze %dma_start3A_9 : memref<1x632x16xf32, #tpu.memory_space<hbm>> -> memref<632x16xf32, #tpu.memory_space<hbm>>
      %dma_start3A_11 = arith.constant 0 : i32
      %dma_start3A_12 = tpu.memref_slice %arg8[%mul3A_2, %dma_start3A_11] : memref<10112x16xf32, #tpu.memory_space<vmem_shared>> -> memref<632x16xf32, #tpu.memory_space<vmem_shared>>
      tpu.enqueue_dma source(%dma_start3A_12 : memref<632x16xf32, #tpu.memory_space<vmem_shared>>) target(%dma_start3A_10 : memref<632x16xf32, #tpu.memory_space<hbm>>) target_semaphore(%run_scoped3A : memref<!tpu.dma_semaphore, #tpu.memory_space<semaphore_mem>>)
      %dma_wait3A = arith.constant 0 : i32
      %dma_wait3A_13 = tpu.memref_slice %arg5[%arg0, %mul3A_2, %dma_wait3A] : memref<2x10112x16xf32, #tpu.memory_space<hbm>> -> memref<1x632x16xf32, #tpu.memory_space<hbm>>
      %dma_wait3A_14 = tpu.memref_squeeze %dma_wait3A_13 : memref<1x632x16xf32, #tpu.memory_space<hbm>> -> memref<632x16xf32, #tpu.memory_space<hbm>>
      %dma_wait3A_15 = arith.constant 0 : i32
      %dma_wait3A_16 = tpu.memref_slice %arg8[%mul3A_2, %dma_wait3A_15] : memref<10112x16xf32, #tpu.memory_space<vmem_shared>> -> memref<632x16xf32, #tpu.memory_space<vmem_shared>>
      tpu.wait_dma2 semaphore(%run_scoped3A : memref<!tpu.dma_semaphore, #tpu.memory_space<semaphore_mem>>) src(%dma_wait3A_16 : memref<632x16xf32, #tpu.memory_space<vmem_shared>>) dst(%dma_wait3A_14 : memref<632x16xf32, #tpu.memory_space<hbm>>)
      tpu.yield
    }) : () -> ()
    return
  }
}

#map = affine_map<(d0, d1) -> (0, 0)>
#map1 = affine_map<(d0, d1) -> (0, 0, 0, 0)>
#map2 = affine_map<(d0, d1) -> (0, 0, 0)>
module attributes {stable_mosaic.version = 14 : i64} {
  func.func @agg(%arg0: i32, %arg1: i32, %arg2: memref<10112x128xf32, #tpu.memory_space<hbm>>, %arg3: memref<32x79x2x128xi32, #tpu.memory_space<hbm>>, %arg4: memref<2x10112x128xf32, #tpu.memory_space<hbm>>, %arg5: memref<2x128xi32, #tpu.memory_space<vmem>>, %arg6: memref<2x128xi32, #tpu.memory_space<vmem>>, %arg7: memref<128x128xf32, #tpu.memory_space<vmem>>, %arg8: memref<128x128xf32, #tpu.memory_space<vmem>>, %arg9: memref<10112x128xf32, #tpu.memory_space<vmem_shared>>, %arg10: memref<!tpu.dma_semaphore, #tpu.memory_space<semaphore_mem>>, %arg11: memref<!tpu.dma_semaphore, #tpu.memory_space<semaphore_mem>>, %arg12: memref<!tpu.dma_semaphore, #tpu.memory_space<semaphore_mem>>, %arg13: memref<!tpu.dma_semaphore, #tpu.memory_space<semaphore_mem>>) attributes {dimension_semantics = [#tpu.dimension_semantics<core_parallel>, #tpu.dimension_semantics<subcore_parallel>], iteration_bounds = array<i64: 2, 16>, scalar_prefetch = 0 : i64, scratch_operands = 9 : i64, tpu.core_type = #tpu.core_type<sc_vector_subcore>, window_params = [{transform_indices = #map}, {transform_indices = #map1}, {transform_indices = #map2}]} {
    %mul3A = arith.constant 16 : i32
    %mul3A_0 = arith.muli %arg0, %mul3A : i32
    %add3A = arith.addi %mul3A_0, %arg1 : i32
    %mul3A_1 = arith.constant 632 : i32
    %mul3A_2 = arith.muli %arg1, %mul3A_1 : i32
    "tpu.region"() ({
      %run_scoped3A_24 = tpu.sem_alloc : memref<!tpu.dma_semaphore, #tpu.memory_space<semaphore_mem>>
      %dma_start3A_25 = arith.constant 0 : i32
      %dma_start3A_26 = tpu.memref_slice %arg9[%mul3A_2, %dma_start3A_25] : memref<10112x128xf32, #tpu.memory_space<vmem_shared>> -> memref<632x128xf32, #tpu.memory_space<vmem_shared>>
      %dma_start3A_27 = arith.constant 0 : i32
      %dma_start3A_28 = tpu.memref_slice %arg2[%mul3A_2, %dma_start3A_27] : memref<10112x128xf32, #tpu.memory_space<hbm>> -> memref<632x128xf32, #tpu.memory_space<hbm>>
      tpu.enqueue_dma source(%dma_start3A_28 : memref<632x128xf32, #tpu.memory_space<hbm>>) target(%dma_start3A_26 : memref<632x128xf32, #tpu.memory_space<vmem_shared>>) target_semaphore(%run_scoped3A_24 : memref<!tpu.dma_semaphore, #tpu.memory_space<semaphore_mem>>)
      %dma_wait3A = arith.constant 0 : i32
      %dma_wait3A_29 = tpu.memref_slice %arg9[%mul3A_2, %dma_wait3A] : memref<10112x128xf32, #tpu.memory_space<vmem_shared>> -> memref<632x128xf32, #tpu.memory_space<vmem_shared>>
      %dma_wait3A_30 = arith.constant 0 : i32
      %dma_wait3A_31 = tpu.memref_slice %arg2[%mul3A_2, %dma_wait3A_30] : memref<10112x128xf32, #tpu.memory_space<hbm>> -> memref<632x128xf32, #tpu.memory_space<hbm>>
      tpu.wait_dma2 semaphore(%run_scoped3A_24 : memref<!tpu.dma_semaphore, #tpu.memory_space<semaphore_mem>>) src(%dma_wait3A_31 : memref<632x128xf32, #tpu.memory_space<hbm>>) dst(%dma_wait3A_29 : memref<632x128xf32, #tpu.memory_space<vmem_shared>>)
      tpu.yield
    }) : () -> ()
    %barrier3A = arith.constant 0 : index
    tpu.barrier barrier_id(%barrier3A)
    %run_scoped3A = arith.constant 0 : i32
    "tpu.region"() ({
      %run_scoped3A_24 = tpu.sem_alloc : memref<!tpu.dma_semaphore, #tpu.memory_space<semaphore_mem>>
      %dma_start3A_25 = arith.constant 0 : i32
      %dma_start3A_26 = arith.constant 0 : i32
      %dma_start3A_27 = tpu.memref_slice %arg3[%add3A, %run_scoped3A, %dma_start3A_25, %dma_start3A_26] : memref<32x79x2x128xi32, #tpu.memory_space<hbm>> -> memref<1x1x2x128xi32, #tpu.memory_space<hbm>>
      %dma_start3A_28 = tpu.memref_squeeze %dma_start3A_27 : memref<1x1x2x128xi32, #tpu.memory_space<hbm>> -> memref<2x128xi32, #tpu.memory_space<hbm>>
      %dma_start3A_29 = arith.constant 0 : i32
      %dma_start3A_30 = arith.constant 0 : i32
      %dma_start3A_31 = tpu.memref_slice %arg3[%add3A, %run_scoped3A, %dma_start3A_29, %dma_start3A_30] : memref<32x79x2x128xi32, #tpu.memory_space<hbm>> -> memref<1x1x2x128xi32, #tpu.memory_space<hbm>>
      %dma_start3A_32 = tpu.memref_squeeze %dma_start3A_31 : memref<1x1x2x128xi32, #tpu.memory_space<hbm>> -> memref<2x128xi32, #tpu.memory_space<hbm>>
      tpu.enqueue_dma source(%dma_start3A_32 : memref<2x128xi32, #tpu.memory_space<hbm>>) target(%arg5 : memref<2x128xi32, #tpu.memory_space<vmem>>) target_semaphore(%run_scoped3A_24 : memref<!tpu.dma_semaphore, #tpu.memory_space<semaphore_mem>>)
      %dma_wait3A = arith.constant 0 : i32
      %dma_wait3A_33 = arith.constant 0 : i32
      %dma_wait3A_34 = tpu.memref_slice %arg3[%add3A, %run_scoped3A, %dma_wait3A, %dma_wait3A_33] : memref<32x79x2x128xi32, #tpu.memory_space<hbm>> -> memref<1x1x2x128xi32, #tpu.memory_space<hbm>>
      %dma_wait3A_35 = tpu.memref_squeeze %dma_wait3A_34 : memref<1x1x2x128xi32, #tpu.memory_space<hbm>> -> memref<2x128xi32, #tpu.memory_space<hbm>>
      %dma_wait3A_36 = arith.constant 0 : i32
      %dma_wait3A_37 = arith.constant 0 : i32
      %dma_wait3A_38 = tpu.memref_slice %arg3[%add3A, %run_scoped3A, %dma_wait3A_36, %dma_wait3A_37] : memref<32x79x2x128xi32, #tpu.memory_space<hbm>> -> memref<1x1x2x128xi32, #tpu.memory_space<hbm>>
      %dma_wait3A_39 = tpu.memref_squeeze %dma_wait3A_38 : memref<1x1x2x128xi32, #tpu.memory_space<hbm>> -> memref<2x128xi32, #tpu.memory_space<hbm>>
      tpu.wait_dma2 semaphore(%run_scoped3A_24 : memref<!tpu.dma_semaphore, #tpu.memory_space<semaphore_mem>>) src(%dma_wait3A_39 : memref<2x128xi32, #tpu.memory_space<hbm>>) dst(%arg5 : memref<2x128xi32, #tpu.memory_space<vmem>>)
      tpu.yield
    }) : () -> ()
    %dma_start3A = arith.constant 0 : i32
    %dma_start3A_3 = arith.constant 0 : i32
    %dma_start3A_4 = tpu.memref_slice %arg5[%dma_start3A, %dma_start3A_3] : memref<2x128xi32, #tpu.memory_space<vmem>> -> memref<1x128xi32, #tpu.memory_space<vmem>>
    %dma_start3A_5 = tpu.memref_squeeze %dma_start3A_4 : memref<1x128xi32, #tpu.memory_space<vmem>> -> memref<128xi32, #tpu.memory_space<vmem>>
    %dma_start3A_6 = arith.constant 0 : i32
    %dma_start3A_7 = arith.constant 0 : i32
    %dma_start3A_8 = tpu.memref_slice %arg2[%dma_start3A_6, %dma_start3A_7] : memref<10112x128xf32, #tpu.memory_space<hbm>> -> memref<10112x128xf32, #tpu.memory_space<hbm>>
    tpu.enqueue_indirect_dma source(%dma_start3A_8 : memref<10112x128xf32, #tpu.memory_space<hbm>>) target(%arg7 : memref<128x128xf32, #tpu.memory_space<vmem>>) offsets(%dma_start3A_5 : memref<128xi32, #tpu.memory_space<vmem>>) semaphore(%arg10 : memref<!tpu.dma_semaphore, #tpu.memory_space<semaphore_mem>>)
    %dma_start3A_9 = arith.constant 1 : i32
    %dma_start3A_10 = arith.constant 0 : i32
    %dma_start3A_11 = arith.constant 0 : i32
    %dma_start3A_12 = tpu.memref_slice %arg3[%add3A, %dma_start3A_9, %dma_start3A_10, %dma_start3A_11] : memref<32x79x2x128xi32, #tpu.memory_space<hbm>> -> memref<1x1x2x128xi32, #tpu.memory_space<hbm>>
    %dma_start3A_13 = tpu.memref_squeeze %dma_start3A_12 : memref<1x1x2x128xi32, #tpu.memory_space<hbm>> -> memref<2x128xi32, #tpu.memory_space<hbm>>
    %dma_start3A_14 = arith.constant 0 : i32
    %dma_start3A_15 = arith.constant 0 : i32
    %dma_start3A_16 = tpu.memref_slice %arg3[%add3A, %dma_start3A_9, %dma_start3A_14, %dma_start3A_15] : memref<32x79x2x128xi32, #tpu.memory_space<hbm>> -> memref<1x1x2x128xi32, #tpu.memory_space<hbm>>
    %dma_start3A_17 = tpu.memref_squeeze %dma_start3A_16 : memref<1x1x2x128xi32, #tpu.memory_space<hbm>> -> memref<2x128xi32, #tpu.memory_space<hbm>>
    tpu.enqueue_dma source(%dma_start3A_17 : memref<2x128xi32, #tpu.memory_space<hbm>>) target(%arg6 : memref<2x128xi32, #tpu.memory_space<vmem>>) target_semaphore(%arg13 : memref<!tpu.dma_semaphore, #tpu.memory_space<semaphore_mem>>)
    %scan3A = arith.constant 0 : i32
    %scan3A_18 = arith.constant 0 : i32
    %scan3A_19 = arith.constant 40 : i32
    %scan3A_20 = arith.addi %scan3A_18, %scan3A_19 : i32
    %scan3A_21 = arith.constant 1 : i32
    scf.for %scan3A_24 = %scan3A_18 to %scan3A_20 step %scan3A_21  : i32 {
      %mul3A_25 = arith.constant 2 : i32
      %mul3A_26 = arith.muli %mul3A_25, %scan3A_24 : i32
      %add3A_27 = arith.constant 1 : i32
      %add3A_28 = arith.addi %mul3A_26, %add3A_27 : i32
      %mul3A_29 = arith.constant 2 : i32
      %mul3A_30 = arith.muli %mul3A_29, %scan3A_24 : i32
      %add3A_31 = arith.constant 2 : i32
      %add3A_32 = arith.addi %mul3A_30, %add3A_31 : i32
      %mul3A_33 = arith.constant 2 : i32
      %mul3A_34 = arith.muli %mul3A_33, %scan3A_24 : i32
      %add3A_35 = arith.constant 3 : i32
      %add3A_36 = arith.addi %mul3A_34, %add3A_35 : i32
      %lt3A = arith.constant 79 : i32
      %lt3A_37 = arith.cmpi slt, %add3A_28, %lt3A : i32
      %convert_element_type3A = arith.extui %lt3A_37 : i1 to i32
      %cond3A = arith.constant 0 : i32
      %cond3A_38 = arith.cmpi ne, %convert_element_type3A, %cond3A : i32
      scf.if %cond3A_38 {
        %dma_wait3A_56 = arith.constant 0 : i32
        %dma_wait3A_57 = arith.constant 0 : i32
        %dma_wait3A_58 = tpu.memref_slice %arg3[%add3A, %add3A_28, %dma_wait3A_56, %dma_wait3A_57] : memref<32x79x2x128xi32, #tpu.memory_space<hbm>> -> memref<1x1x2x128xi32, #tpu.memory_space<hbm>>
        %dma_wait3A_59 = tpu.memref_squeeze %dma_wait3A_58 : memref<1x1x2x128xi32, #tpu.memory_space<hbm>> -> memref<2x128xi32, #tpu.memory_space<hbm>>
        %dma_wait3A_60 = arith.constant 0 : i32
        %dma_wait3A_61 = arith.constant 0 : i32
        %dma_wait3A_62 = tpu.memref_slice %arg3[%add3A, %add3A_28, %dma_wait3A_60, %dma_wait3A_61] : memref<32x79x2x128xi32, #tpu.memory_space<hbm>> -> memref<1x1x2x128xi32, #tpu.memory_space<hbm>>
        %dma_wait3A_63 = tpu.memref_squeeze %dma_wait3A_62 : memref<1x1x2x128xi32, #tpu.memory_space<hbm>> -> memref<2x128xi32, #tpu.memory_space<hbm>>
        tpu.wait_dma2 semaphore(%arg13 : memref<!tpu.dma_semaphore, #tpu.memory_space<semaphore_mem>>) src(%dma_wait3A_63 : memref<2x128xi32, #tpu.memory_space<hbm>>) dst(%arg6 : memref<2x128xi32, #tpu.memory_space<vmem>>)
        %dma_start3A_64 = arith.constant 0 : i32
        %dma_start3A_65 = arith.constant 0 : i32
        %dma_start3A_66 = tpu.memref_slice %arg6[%dma_start3A_64, %dma_start3A_65] : memref<2x128xi32, #tpu.memory_space<vmem>> -> memref<1x128xi32, #tpu.memory_space<vmem>>
        %dma_start3A_67 = tpu.memref_squeeze %dma_start3A_66 : memref<1x128xi32, #tpu.memory_space<vmem>> -> memref<128xi32, #tpu.memory_space<vmem>>
        %dma_start3A_68 = arith.constant 0 : i32
        %dma_start3A_69 = arith.constant 0 : i32
        %dma_start3A_70 = tpu.memref_slice %arg2[%dma_start3A_68, %dma_start3A_69] : memref<10112x128xf32, #tpu.memory_space<hbm>> -> memref<10112x128xf32, #tpu.memory_space<hbm>>
        tpu.enqueue_indirect_dma source(%dma_start3A_70 : memref<10112x128xf32, #tpu.memory_space<hbm>>) target(%arg8 : memref<128x128xf32, #tpu.memory_space<vmem>>) offsets(%dma_start3A_67 : memref<128xi32, #tpu.memory_space<vmem>>) semaphore(%arg11 : memref<!tpu.dma_semaphore, #tpu.memory_space<semaphore_mem>>)
      } else {
      }
      %dma_wait3A = arith.constant 0 : i32
      %dma_wait3A_39 = arith.constant 0 : i32
      %dma_wait3A_40 = tpu.memref_slice %arg5[%dma_wait3A, %dma_wait3A_39] : memref<2x128xi32, #tpu.memory_space<vmem>> -> memref<1x128xi32, #tpu.memory_space<vmem>>
      %dma_wait3A_41 = tpu.memref_squeeze %dma_wait3A_40 : memref<1x128xi32, #tpu.memory_space<vmem>> -> memref<128xi32, #tpu.memory_space<vmem>>
      %dma_wait3A_42 = arith.constant 0 : i32
      %dma_wait3A_43 = arith.constant 0 : i32
      %dma_wait3A_44 = tpu.memref_slice %arg2[%dma_wait3A_42, %dma_wait3A_43] : memref<10112x128xf32, #tpu.memory_space<hbm>> -> memref<10112x128xf32, #tpu.memory_space<hbm>>
      tpu.wait_indirect_dma semaphore(%arg10 : memref<!tpu.dma_semaphore, #tpu.memory_space<semaphore_mem>>) src(%dma_wait3A_44 : memref<10112x128xf32, #tpu.memory_space<hbm>>) dst(%arg7 : memref<128x128xf32, #tpu.memory_space<vmem>>)
      %run_scoped3A_45 = arith.constant 1 : i32
      "tpu.region"() ({
        %run_scoped3A_56 = tpu.sem_alloc : memref<!tpu.dma_semaphore, #tpu.memory_space<semaphore_mem>>
        %dma_start3A_57 = arith.constant 0 : i32
        %dma_start3A_58 = tpu.memref_slice %arg5[%run_scoped3A_45, %dma_start3A_57] : memref<2x128xi32, #tpu.memory_space<vmem>> -> memref<1x128xi32, #tpu.memory_space<vmem>>
        %dma_start3A_59 = tpu.memref_squeeze %dma_start3A_58 : memref<1x128xi32, #tpu.memory_space<vmem>> -> memref<128xi32, #tpu.memory_space<vmem>>
        %dma_start3A_60 = arith.constant 0 : i32
        %dma_start3A_61 = arith.constant 0 : i32
        %dma_start3A_62 = tpu.memref_slice %arg9[%dma_start3A_60, %dma_start3A_61] : memref<10112x128xf32, #tpu.memory_space<vmem_shared>> -> memref<10112x128xf32, #tpu.memory_space<vmem_shared>>
        tpu.enqueue_indirect_dma source(%arg7 : memref<128x128xf32, #tpu.memory_space<vmem>>) target(%dma_start3A_62 : memref<10112x128xf32, #tpu.memory_space<vmem_shared>>) offsets(%dma_start3A_59 : memref<128xi32, #tpu.memory_space<vmem>>) semaphore(%run_scoped3A_56 : memref<!tpu.dma_semaphore, #tpu.memory_space<semaphore_mem>>) {add = true}
        %dma_wait3A_63 = arith.constant 0 : i32
        %dma_wait3A_64 = tpu.memref_slice %arg5[%run_scoped3A_45, %dma_wait3A_63] : memref<2x128xi32, #tpu.memory_space<vmem>> -> memref<1x128xi32, #tpu.memory_space<vmem>>
        %dma_wait3A_65 = tpu.memref_squeeze %dma_wait3A_64 : memref<1x128xi32, #tpu.memory_space<vmem>> -> memref<128xi32, #tpu.memory_space<vmem>>
        %dma_wait3A_66 = arith.constant 0 : i32
        %dma_wait3A_67 = arith.constant 0 : i32
        %dma_wait3A_68 = tpu.memref_slice %arg9[%dma_wait3A_66, %dma_wait3A_67] : memref<10112x128xf32, #tpu.memory_space<vmem_shared>> -> memref<10112x128xf32, #tpu.memory_space<vmem_shared>>
        tpu.wait_indirect_dma semaphore(%run_scoped3A_56 : memref<!tpu.dma_semaphore, #tpu.memory_space<semaphore_mem>>) src(%arg7 : memref<128x128xf32, #tpu.memory_space<vmem>>) dst(%dma_wait3A_68 : memref<10112x128xf32, #tpu.memory_space<vmem_shared>>)
        tpu.yield
      }) : () -> ()
      %lt3A_46 = arith.constant 79 : i32
      %lt3A_47 = arith.cmpi slt, %add3A_32, %lt3A_46 : i32
      %convert_element_type3A_48 = arith.extui %lt3A_47 : i1 to i32
      %cond3A_49 = arith.constant 0 : i32
      %cond3A_50 = arith.cmpi ne, %convert_element_type3A_48, %cond3A_49 : i32
      scf.if %cond3A_50 {
        %dma_start3A_56 = arith.constant 0 : i32
        %dma_start3A_57 = arith.constant 0 : i32
        %dma_start3A_58 = tpu.memref_slice %arg3[%add3A, %add3A_32, %dma_start3A_56, %dma_start3A_57] : memref<32x79x2x128xi32, #tpu.memory_space<hbm>> -> memref<1x1x2x128xi32, #tpu.memory_space<hbm>>
        %dma_start3A_59 = tpu.memref_squeeze %dma_start3A_58 : memref<1x1x2x128xi32, #tpu.memory_space<hbm>> -> memref<2x128xi32, #tpu.memory_space<hbm>>
        %dma_start3A_60 = arith.constant 0 : i32
        %dma_start3A_61 = arith.constant 0 : i32
        %dma_start3A_62 = tpu.memref_slice %arg3[%add3A, %add3A_32, %dma_start3A_60, %dma_start3A_61] : memref<32x79x2x128xi32, #tpu.memory_space<hbm>> -> memref<1x1x2x128xi32, #tpu.memory_space<hbm>>
        %dma_start3A_63 = tpu.memref_squeeze %dma_start3A_62 : memref<1x1x2x128xi32, #tpu.memory_space<hbm>> -> memref<2x128xi32, #tpu.memory_space<hbm>>
        tpu.enqueue_dma source(%dma_start3A_63 : memref<2x128xi32, #tpu.memory_space<hbm>>) target(%arg5 : memref<2x128xi32, #tpu.memory_space<vmem>>) target_semaphore(%arg12 : memref<!tpu.dma_semaphore, #tpu.memory_space<semaphore_mem>>)
      } else {
      }
      %lt3A_51 = arith.constant 79 : i32
      %lt3A_52 = arith.cmpi slt, %add3A_28, %lt3A_51 : i32
      %convert_element_type3A_53 = arith.extui %lt3A_52 : i1 to i32
      %cond3A_54 = arith.constant 0 : i32
      %cond3A_55 = arith.cmpi ne, %convert_element_type3A_53, %cond3A_54 : i32
      scf.if %cond3A_55 {
        %lt3A_56 = arith.constant 79 : i32
        %lt3A_57 = arith.cmpi slt, %add3A_32, %lt3A_56 : i32
        %convert_element_type3A_58 = arith.extui %lt3A_57 : i1 to i32
        %cond3A_59 = arith.constant 0 : i32
        %cond3A_60 = arith.cmpi ne, %convert_element_type3A_58, %cond3A_59 : i32
        scf.if %cond3A_60 {
          %dma_wait3A_74 = arith.constant 0 : i32
          %dma_wait3A_75 = arith.constant 0 : i32
          %dma_wait3A_76 = tpu.memref_slice %arg3[%add3A, %add3A_32, %dma_wait3A_74, %dma_wait3A_75] : memref<32x79x2x128xi32, #tpu.memory_space<hbm>> -> memref<1x1x2x128xi32, #tpu.memory_space<hbm>>
          %dma_wait3A_77 = tpu.memref_squeeze %dma_wait3A_76 : memref<1x1x2x128xi32, #tpu.memory_space<hbm>> -> memref<2x128xi32, #tpu.memory_space<hbm>>
          %dma_wait3A_78 = arith.constant 0 : i32
          %dma_wait3A_79 = arith.constant 0 : i32
          %dma_wait3A_80 = tpu.memref_slice %arg3[%add3A, %add3A_32, %dma_wait3A_78, %dma_wait3A_79] : memref<32x79x2x128xi32, #tpu.memory_space<hbm>> -> memref<1x1x2x128xi32, #tpu.memory_space<hbm>>
          %dma_wait3A_81 = tpu.memref_squeeze %dma_wait3A_80 : memref<1x1x2x128xi32, #tpu.memory_space<hbm>> -> memref<2x128xi32, #tpu.memory_space<hbm>>
          tpu.wait_dma2 semaphore(%arg12 : memref<!tpu.dma_semaphore, #tpu.memory_space<semaphore_mem>>) src(%dma_wait3A_81 : memref<2x128xi32, #tpu.memory_space<hbm>>) dst(%arg5 : memref<2x128xi32, #tpu.memory_space<vmem>>)
          %dma_start3A_82 = arith.constant 0 : i32
          %dma_start3A_83 = arith.constant 0 : i32
          %dma_start3A_84 = tpu.memref_slice %arg5[%dma_start3A_82, %dma_start3A_83] : memref<2x128xi32, #tpu.memory_space<vmem>> -> memref<1x128xi32, #tpu.memory_space<vmem>>
          %dma_start3A_85 = tpu.memref_squeeze %dma_start3A_84 : memref<1x128xi32, #tpu.memory_space<vmem>> -> memref<128xi32, #tpu.memory_space<vmem>>
          %dma_start3A_86 = arith.constant 0 : i32
          %dma_start3A_87 = arith.constant 0 : i32
          %dma_start3A_88 = tpu.memref_slice %arg2[%dma_start3A_86, %dma_start3A_87] : memref<10112x128xf32, #tpu.memory_space<hbm>> -> memref<10112x128xf32, #tpu.memory_space<hbm>>
          tpu.enqueue_indirect_dma source(%dma_start3A_88 : memref<10112x128xf32, #tpu.memory_space<hbm>>) target(%arg7 : memref<128x128xf32, #tpu.memory_space<vmem>>) offsets(%dma_start3A_85 : memref<128xi32, #tpu.memory_space<vmem>>) semaphore(%arg10 : memref<!tpu.dma_semaphore, #tpu.memory_space<semaphore_mem>>)
        } else {
        }
        %dma_wait3A_61 = arith.constant 0 : i32
        %dma_wait3A_62 = arith.constant 0 : i32
        %dma_wait3A_63 = tpu.memref_slice %arg6[%dma_wait3A_61, %dma_wait3A_62] : memref<2x128xi32, #tpu.memory_space<vmem>> -> memref<1x128xi32, #tpu.memory_space<vmem>>
        %dma_wait3A_64 = tpu.memref_squeeze %dma_wait3A_63 : memref<1x128xi32, #tpu.memory_space<vmem>> -> memref<128xi32, #tpu.memory_space<vmem>>
        %dma_wait3A_65 = arith.constant 0 : i32
        %dma_wait3A_66 = arith.constant 0 : i32
        %dma_wait3A_67 = tpu.memref_slice %arg2[%dma_wait3A_65, %dma_wait3A_66] : memref<10112x128xf32, #tpu.memory_space<hbm>> -> memref<10112x128xf32, #tpu.memory_space<hbm>>
        tpu.wait_indirect_dma semaphore(%arg11 : memref<!tpu.dma_semaphore, #tpu.memory_space<semaphore_mem>>) src(%dma_wait3A_67 : memref<10112x128xf32, #tpu.memory_space<hbm>>) dst(%arg8 : memref<128x128xf32, #tpu.memory_space<vmem>>)
        %run_scoped3A_68 = arith.constant 1 : i32
        "tpu.region"() ({
          %run_scoped3A_74 = tpu.sem_alloc : memref<!tpu.dma_semaphore, #tpu.memory_space<semaphore_mem>>
          %dma_start3A_75 = arith.constant 0 : i32
          %dma_start3A_76 = tpu.memref_slice %arg6[%run_scoped3A_68, %dma_start3A_75] : memref<2x128xi32, #tpu.memory_space<vmem>> -> memref<1x128xi32, #tpu.memory_space<vmem>>
          %dma_start3A_77 = tpu.memref_squeeze %dma_start3A_76 : memref<1x128xi32, #tpu.memory_space<vmem>> -> memref<128xi32, #tpu.memory_space<vmem>>
          %dma_start3A_78 = arith.constant 0 : i32
          %dma_start3A_79 = arith.constant 0 : i32
          %dma_start3A_80 = tpu.memref_slice %arg9[%dma_start3A_78, %dma_start3A_79] : memref<10112x128xf32, #tpu.memory_space<vmem_shared>> -> memref<10112x128xf32, #tpu.memory_space<vmem_shared>>
          tpu.enqueue_indirect_dma source(%arg8 : memref<128x128xf32, #tpu.memory_space<vmem>>) target(%dma_start3A_80 : memref<10112x128xf32, #tpu.memory_space<vmem_shared>>) offsets(%dma_start3A_77 : memref<128xi32, #tpu.memory_space<vmem>>) semaphore(%run_scoped3A_74 : memref<!tpu.dma_semaphore, #tpu.memory_space<semaphore_mem>>) {add = true}
          %dma_wait3A_81 = arith.constant 0 : i32
          %dma_wait3A_82 = tpu.memref_slice %arg6[%run_scoped3A_68, %dma_wait3A_81] : memref<2x128xi32, #tpu.memory_space<vmem>> -> memref<1x128xi32, #tpu.memory_space<vmem>>
          %dma_wait3A_83 = tpu.memref_squeeze %dma_wait3A_82 : memref<1x128xi32, #tpu.memory_space<vmem>> -> memref<128xi32, #tpu.memory_space<vmem>>
          %dma_wait3A_84 = arith.constant 0 : i32
          %dma_wait3A_85 = arith.constant 0 : i32
          %dma_wait3A_86 = tpu.memref_slice %arg9[%dma_wait3A_84, %dma_wait3A_85] : memref<10112x128xf32, #tpu.memory_space<vmem_shared>> -> memref<10112x128xf32, #tpu.memory_space<vmem_shared>>
          tpu.wait_indirect_dma semaphore(%run_scoped3A_74 : memref<!tpu.dma_semaphore, #tpu.memory_space<semaphore_mem>>) src(%arg8 : memref<128x128xf32, #tpu.memory_space<vmem>>) dst(%dma_wait3A_86 : memref<10112x128xf32, #tpu.memory_space<vmem_shared>>)
          tpu.yield
        }) : () -> ()
        %lt3A_69 = arith.constant 79 : i32
        %lt3A_70 = arith.cmpi slt, %add3A_36, %lt3A_69 : i32
        %convert_element_type3A_71 = arith.extui %lt3A_70 : i1 to i32
        %cond3A_72 = arith.constant 0 : i32
        %cond3A_73 = arith.cmpi ne, %convert_element_type3A_71, %cond3A_72 : i32
        scf.if %cond3A_73 {
          %dma_start3A_74 = arith.constant 0 : i32
          %dma_start3A_75 = arith.constant 0 : i32
          %dma_start3A_76 = tpu.memref_slice %arg3[%add3A, %add3A_36, %dma_start3A_74, %dma_start3A_75] : memref<32x79x2x128xi32, #tpu.memory_space<hbm>> -> memref<1x1x2x128xi32, #tpu.memory_space<hbm>>
          %dma_start3A_77 = tpu.memref_squeeze %dma_start3A_76 : memref<1x1x2x128xi32, #tpu.memory_space<hbm>> -> memref<2x128xi32, #tpu.memory_space<hbm>>
          %dma_start3A_78 = arith.constant 0 : i32
          %dma_start3A_79 = arith.constant 0 : i32
          %dma_start3A_80 = tpu.memref_slice %arg3[%add3A, %add3A_36, %dma_start3A_78, %dma_start3A_79] : memref<32x79x2x128xi32, #tpu.memory_space<hbm>> -> memref<1x1x2x128xi32, #tpu.memory_space<hbm>>
          %dma_start3A_81 = tpu.memref_squeeze %dma_start3A_80 : memref<1x1x2x128xi32, #tpu.memory_space<hbm>> -> memref<2x128xi32, #tpu.memory_space<hbm>>
          tpu.enqueue_dma source(%dma_start3A_81 : memref<2x128xi32, #tpu.memory_space<hbm>>) target(%arg6 : memref<2x128xi32, #tpu.memory_space<vmem>>) target_semaphore(%arg13 : memref<!tpu.dma_semaphore, #tpu.memory_space<semaphore_mem>>)
        } else {
        }
      } else {
      }
    }
    %scan3A_22 = arith.constant 40 : i32
    %barrier3A_23 = arith.constant 0 : index
    tpu.barrier barrier_id(%barrier3A_23)
    "tpu.region"() ({
      %run_scoped3A_24 = tpu.sem_alloc : memref<!tpu.dma_semaphore, #tpu.memory_space<semaphore_mem>>
      %dma_start3A_25 = arith.constant 0 : i32
      %dma_start3A_26 = tpu.memref_slice %arg4[%arg0, %mul3A_2, %dma_start3A_25] : memref<2x10112x128xf32, #tpu.memory_space<hbm>> -> memref<1x632x128xf32, #tpu.memory_space<hbm>>
      %dma_start3A_27 = tpu.memref_squeeze %dma_start3A_26 : memref<1x632x128xf32, #tpu.memory_space<hbm>> -> memref<632x128xf32, #tpu.memory_space<hbm>>
      %dma_start3A_28 = arith.constant 0 : i32
      %dma_start3A_29 = tpu.memref_slice %arg9[%mul3A_2, %dma_start3A_28] : memref<10112x128xf32, #tpu.memory_space<vmem_shared>> -> memref<632x128xf32, #tpu.memory_space<vmem_shared>>
      tpu.enqueue_dma source(%dma_start3A_29 : memref<632x128xf32, #tpu.memory_space<vmem_shared>>) target(%dma_start3A_27 : memref<632x128xf32, #tpu.memory_space<hbm>>) target_semaphore(%run_scoped3A_24 : memref<!tpu.dma_semaphore, #tpu.memory_space<semaphore_mem>>)
      %dma_wait3A = arith.constant 0 : i32
      %dma_wait3A_30 = tpu.memref_slice %arg4[%arg0, %mul3A_2, %dma_wait3A] : memref<2x10112x128xf32, #tpu.memory_space<hbm>> -> memref<1x632x128xf32, #tpu.memory_space<hbm>>
      %dma_wait3A_31 = tpu.memref_squeeze %dma_wait3A_30 : memref<1x632x128xf32, #tpu.memory_space<hbm>> -> memref<632x128xf32, #tpu.memory_space<hbm>>
      %dma_wait3A_32 = arith.constant 0 : i32
      %dma_wait3A_33 = tpu.memref_slice %arg9[%mul3A_2, %dma_wait3A_32] : memref<10112x128xf32, #tpu.memory_space<vmem_shared>> -> memref<632x128xf32, #tpu.memory_space<vmem_shared>>
      tpu.wait_dma2 semaphore(%run_scoped3A_24 : memref<!tpu.dma_semaphore, #tpu.memory_space<semaphore_mem>>) src(%dma_wait3A_33 : memref<632x128xf32, #tpu.memory_space<vmem_shared>>) dst(%dma_wait3A_31 : memref<632x128xf32, #tpu.memory_space<hbm>>)
      tpu.yield
    }) : () -> ()
    return
  }
}

#map = affine_map<(d0, d1) -> (0, 0)>
#map1 = affine_map<(d0, d1) -> (0, 0, 0, 0)>
#map2 = affine_map<(d0, d1) -> (0, 0, 0)>
module attributes {stable_mosaic.version = 14 : i64} {
  func.func @agg(%arg0: i32, %arg1: i32, %arg2: memref<10112x128xf32, #tpu.memory_space<hbm>>, %arg3: memref<32x79x2x128xi32, #tpu.memory_space<hbm>>, %arg4: memref<2x10112x128xf32, #tpu.memory_space<hbm>>, %arg5: memref<2x128xi32, #tpu.memory_space<vmem>>, %arg6: memref<2x128xi32, #tpu.memory_space<vmem>>, %arg7: memref<128x128xf32, #tpu.memory_space<vmem>>, %arg8: memref<128x128xf32, #tpu.memory_space<vmem>>, %arg9: memref<10112x128xf32, #tpu.memory_space<vmem_shared>>, %arg10: memref<!tpu.dma_semaphore, #tpu.memory_space<semaphore_mem>>, %arg11: memref<!tpu.dma_semaphore, #tpu.memory_space<semaphore_mem>>, %arg12: memref<!tpu.dma_semaphore, #tpu.memory_space<semaphore_mem>>, %arg13: memref<!tpu.dma_semaphore, #tpu.memory_space<semaphore_mem>>) attributes {dimension_semantics = [#tpu.dimension_semantics<core_parallel>, #tpu.dimension_semantics<subcore_parallel>], iteration_bounds = array<i64: 2, 16>, scalar_prefetch = 0 : i64, scratch_operands = 9 : i64, tpu.core_type = #tpu.core_type<sc_vector_subcore>, window_params = [{transform_indices = #map}, {transform_indices = #map1}, {transform_indices = #map2}]} {
    %mul3A = arith.constant 16 : i32
    %mul3A_0 = arith.muli %arg0, %mul3A : i32
    %add3A = arith.addi %mul3A_0, %arg1 : i32
    %mul3A_1 = arith.constant 632 : i32
    %mul3A_2 = arith.muli %arg1, %mul3A_1 : i32
    "tpu.region"() ({
      %run_scoped3A_24 = tpu.sem_alloc : memref<!tpu.dma_semaphore, #tpu.memory_space<semaphore_mem>>
      %dma_start3A_25 = arith.constant 0 : i32
      %dma_start3A_26 = tpu.memref_slice %arg9[%mul3A_2, %dma_start3A_25] : memref<10112x128xf32, #tpu.memory_space<vmem_shared>> -> memref<632x128xf32, #tpu.memory_space<vmem_shared>>
      %dma_start3A_27 = arith.constant 0 : i32
      %dma_start3A_28 = tpu.memref_slice %arg2[%mul3A_2, %dma_start3A_27] : memref<10112x128xf32, #tpu.memory_space<hbm>> -> memref<632x128xf32, #tpu.memory_space<hbm>>
      tpu.enqueue_dma source(%dma_start3A_28 : memref<632x128xf32, #tpu.memory_space<hbm>>) target(%dma_start3A_26 : memref<632x128xf32, #tpu.memory_space<vmem_shared>>) target_semaphore(%run_scoped3A_24 : memref<!tpu.dma_semaphore, #tpu.memory_space<semaphore_mem>>)
      %dma_wait3A = arith.constant 0 : i32
      %dma_wait3A_29 = tpu.memref_slice %arg9[%mul3A_2, %dma_wait3A] : memref<10112x128xf32, #tpu.memory_space<vmem_shared>> -> memref<632x128xf32, #tpu.memory_space<vmem_shared>>
      %dma_wait3A_30 = arith.constant 0 : i32
      %dma_wait3A_31 = tpu.memref_slice %arg2[%mul3A_2, %dma_wait3A_30] : memref<10112x128xf32, #tpu.memory_space<hbm>> -> memref<632x128xf32, #tpu.memory_space<hbm>>
      tpu.wait_dma2 semaphore(%run_scoped3A_24 : memref<!tpu.dma_semaphore, #tpu.memory_space<semaphore_mem>>) src(%dma_wait3A_31 : memref<632x128xf32, #tpu.memory_space<hbm>>) dst(%dma_wait3A_29 : memref<632x128xf32, #tpu.memory_space<vmem_shared>>)
      tpu.yield
    }) : () -> ()
    %barrier3A = arith.constant 0 : index
    tpu.barrier barrier_id(%barrier3A)
    %run_scoped3A = arith.constant 0 : i32
    "tpu.region"() ({
      %run_scoped3A_24 = tpu.sem_alloc : memref<!tpu.dma_semaphore, #tpu.memory_space<semaphore_mem>>
      %dma_start3A_25 = arith.constant 0 : i32
      %dma_start3A_26 = arith.constant 0 : i32
      %dma_start3A_27 = tpu.memref_slice %arg3[%add3A, %run_scoped3A, %dma_start3A_25, %dma_start3A_26] : memref<32x79x2x128xi32, #tpu.memory_space<hbm>> -> memref<1x1x2x128xi32, #tpu.memory_space<hbm>>
      %dma_start3A_28 = tpu.memref_squeeze %dma_start3A_27 : memref<1x1x2x128xi32, #tpu.memory_space<hbm>> -> memref<2x128xi32, #tpu.memory_space<hbm>>
      %dma_start3A_29 = arith.constant 0 : i32
      %dma_start3A_30 = arith.constant 0 : i32
      %dma_start3A_31 = tpu.memref_slice %arg3[%add3A, %run_scoped3A, %dma_start3A_29, %dma_start3A_30] : memref<32x79x2x128xi32, #tpu.memory_space<hbm>> -> memref<1x1x2x128xi32, #tpu.memory_space<hbm>>
      %dma_start3A_32 = tpu.memref_squeeze %dma_start3A_31 : memref<1x1x2x128xi32, #tpu.memory_space<hbm>> -> memref<2x128xi32, #tpu.memory_space<hbm>>
      tpu.enqueue_dma source(%dma_start3A_32 : memref<2x128xi32, #tpu.memory_space<hbm>>) target(%arg5 : memref<2x128xi32, #tpu.memory_space<vmem>>) target_semaphore(%run_scoped3A_24 : memref<!tpu.dma_semaphore, #tpu.memory_space<semaphore_mem>>)
      %dma_wait3A = arith.constant 0 : i32
      %dma_wait3A_33 = arith.constant 0 : i32
      %dma_wait3A_34 = tpu.memref_slice %arg3[%add3A, %run_scoped3A, %dma_wait3A, %dma_wait3A_33] : memref<32x79x2x128xi32, #tpu.memory_space<hbm>> -> memref<1x1x2x128xi32, #tpu.memory_space<hbm>>
      %dma_wait3A_35 = tpu.memref_squeeze %dma_wait3A_34 : memref<1x1x2x128xi32, #tpu.memory_space<hbm>> -> memref<2x128xi32, #tpu.memory_space<hbm>>
      %dma_wait3A_36 = arith.constant 0 : i32
      %dma_wait3A_37 = arith.constant 0 : i32
      %dma_wait3A_38 = tpu.memref_slice %arg3[%add3A, %run_scoped3A, %dma_wait3A_36, %dma_wait3A_37] : memref<32x79x2x128xi32, #tpu.memory_space<hbm>> -> memref<1x1x2x128xi32, #tpu.memory_space<hbm>>
      %dma_wait3A_39 = tpu.memref_squeeze %dma_wait3A_38 : memref<1x1x2x128xi32, #tpu.memory_space<hbm>> -> memref<2x128xi32, #tpu.memory_space<hbm>>
      tpu.wait_dma2 semaphore(%run_scoped3A_24 : memref<!tpu.dma_semaphore, #tpu.memory_space<semaphore_mem>>) src(%dma_wait3A_39 : memref<2x128xi32, #tpu.memory_space<hbm>>) dst(%arg5 : memref<2x128xi32, #tpu.memory_space<vmem>>)
      tpu.yield
    }) : () -> ()
    %dma_start3A = arith.constant 0 : i32
    %dma_start3A_3 = arith.constant 0 : i32
    %dma_start3A_4 = tpu.memref_slice %arg5[%dma_start3A, %dma_start3A_3] : memref<2x128xi32, #tpu.memory_space<vmem>> -> memref<1x128xi32, #tpu.memory_space<vmem>>
    %dma_start3A_5 = tpu.memref_squeeze %dma_start3A_4 : memref<1x128xi32, #tpu.memory_space<vmem>> -> memref<128xi32, #tpu.memory_space<vmem>>
    %dma_start3A_6 = arith.constant 0 : i32
    %dma_start3A_7 = arith.constant 0 : i32
    %dma_start3A_8 = tpu.memref_slice %arg2[%dma_start3A_6, %dma_start3A_7] : memref<10112x128xf32, #tpu.memory_space<hbm>> -> memref<10112x128xf32, #tpu.memory_space<hbm>>
    tpu.enqueue_indirect_dma source(%dma_start3A_8 : memref<10112x128xf32, #tpu.memory_space<hbm>>) target(%arg7 : memref<128x128xf32, #tpu.memory_space<vmem>>) offsets(%dma_start3A_5 : memref<128xi32, #tpu.memory_space<vmem>>) semaphore(%arg10 : memref<!tpu.dma_semaphore, #tpu.memory_space<semaphore_mem>>)
    %dma_start3A_9 = arith.constant 1 : i32
    %dma_start3A_10 = arith.constant 0 : i32
    %dma_start3A_11 = arith.constant 0 : i32
    %dma_start3A_12 = tpu.memref_slice %arg3[%add3A, %dma_start3A_9, %dma_start3A_10, %dma_start3A_11] : memref<32x79x2x128xi32, #tpu.memory_space<hbm>> -> memref<1x1x2x128xi32, #tpu.memory_space<hbm>>
    %dma_start3A_13 = tpu.memref_squeeze %dma_start3A_12 : memref<1x1x2x128xi32, #tpu.memory_space<hbm>> -> memref<2x128xi32, #tpu.memory_space<hbm>>
    %dma_start3A_14 = arith.constant 0 : i32
    %dma_start3A_15 = arith.constant 0 : i32
    %dma_start3A_16 = tpu.memref_slice %arg3[%add3A, %dma_start3A_9, %dma_start3A_14, %dma_start3A_15] : memref<32x79x2x128xi32, #tpu.memory_space<hbm>> -> memref<1x1x2x128xi32, #tpu.memory_space<hbm>>
    %dma_start3A_17 = tpu.memref_squeeze %dma_start3A_16 : memref<1x1x2x128xi32, #tpu.memory_space<hbm>> -> memref<2x128xi32, #tpu.memory_space<hbm>>
    tpu.enqueue_dma source(%dma_start3A_17 : memref<2x128xi32, #tpu.memory_space<hbm>>) target(%arg6 : memref<2x128xi32, #tpu.memory_space<vmem>>) target_semaphore(%arg13 : memref<!tpu.dma_semaphore, #tpu.memory_space<semaphore_mem>>)
    %scan3A = arith.constant 0 : i32
    %scan3A_18 = arith.constant 0 : i32
    %scan3A_19 = arith.constant 40 : i32
    %scan3A_20 = arith.addi %scan3A_18, %scan3A_19 : i32
    %scan3A_21 = arith.constant 1 : i32
    scf.for %scan3A_24 = %scan3A_18 to %scan3A_20 step %scan3A_21  : i32 {
      %mul3A_25 = arith.constant 2 : i32
      %mul3A_26 = arith.muli %mul3A_25, %scan3A_24 : i32
      %add3A_27 = arith.constant 1 : i32
      %add3A_28 = arith.addi %mul3A_26, %add3A_27 : i32
      %mul3A_29 = arith.constant 2 : i32
      %mul3A_30 = arith.muli %mul3A_29, %scan3A_24 : i32
      %add3A_31 = arith.constant 2 : i32
      %add3A_32 = arith.addi %mul3A_30, %add3A_31 : i32
      %mul3A_33 = arith.constant 2 : i32
      %mul3A_34 = arith.muli %mul3A_33, %scan3A_24 : i32
      %add3A_35 = arith.constant 3 : i32
      %add3A_36 = arith.addi %mul3A_34, %add3A_35 : i32
      %lt3A = arith.constant 79 : i32
      %lt3A_37 = arith.cmpi slt, %add3A_28, %lt3A : i32
      %convert_element_type3A = arith.extui %lt3A_37 : i1 to i32
      %cond3A = arith.constant 0 : i32
      %cond3A_38 = arith.cmpi ne, %convert_element_type3A, %cond3A : i32
      scf.if %cond3A_38 {
        %dma_wait3A_56 = arith.constant 0 : i32
        %dma_wait3A_57 = arith.constant 0 : i32
        %dma_wait3A_58 = tpu.memref_slice %arg3[%add3A, %add3A_28, %dma_wait3A_56, %dma_wait3A_57] : memref<32x79x2x128xi32, #tpu.memory_space<hbm>> -> memref<1x1x2x128xi32, #tpu.memory_space<hbm>>
        %dma_wait3A_59 = tpu.memref_squeeze %dma_wait3A_58 : memref<1x1x2x128xi32, #tpu.memory_space<hbm>> -> memref<2x128xi32, #tpu.memory_space<hbm>>
        %dma_wait3A_60 = arith.constant 0 : i32
        %dma_wait3A_61 = arith.constant 0 : i32
        %dma_wait3A_62 = tpu.memref_slice %arg3[%add3A, %add3A_28, %dma_wait3A_60, %dma_wait3A_61] : memref<32x79x2x128xi32, #tpu.memory_space<hbm>> -> memref<1x1x2x128xi32, #tpu.memory_space<hbm>>
        %dma_wait3A_63 = tpu.memref_squeeze %dma_wait3A_62 : memref<1x1x2x128xi32, #tpu.memory_space<hbm>> -> memref<2x128xi32, #tpu.memory_space<hbm>>
        tpu.wait_dma2 semaphore(%arg13 : memref<!tpu.dma_semaphore, #tpu.memory_space<semaphore_mem>>) src(%dma_wait3A_63 : memref<2x128xi32, #tpu.memory_space<hbm>>) dst(%arg6 : memref<2x128xi32, #tpu.memory_space<vmem>>)
        %dma_start3A_64 = arith.constant 0 : i32
        %dma_start3A_65 = arith.constant 0 : i32
        %dma_start3A_66 = tpu.memref_slice %arg6[%dma_start3A_64, %dma_start3A_65] : memref<2x128xi32, #tpu.memory_space<vmem>> -> memref<1x128xi32, #tpu.memory_space<vmem>>
        %dma_start3A_67 = tpu.memref_squeeze %dma_start3A_66 : memref<1x128xi32, #tpu.memory_space<vmem>> -> memref<128xi32, #tpu.memory_space<vmem>>
        %dma_start3A_68 = arith.constant 0 : i32
        %dma_start3A_69 = arith.constant 0 : i32
        %dma_start3A_70 = tpu.memref_slice %arg2[%dma_start3A_68, %dma_start3A_69] : memref<10112x128xf32, #tpu.memory_space<hbm>> -> memref<10112x128xf32, #tpu.memory_space<hbm>>
        tpu.enqueue_indirect_dma source(%dma_start3A_70 : memref<10112x128xf32, #tpu.memory_space<hbm>>) target(%arg8 : memref<128x128xf32, #tpu.memory_space<vmem>>) offsets(%dma_start3A_67 : memref<128xi32, #tpu.memory_space<vmem>>) semaphore(%arg11 : memref<!tpu.dma_semaphore, #tpu.memory_space<semaphore_mem>>)
      } else {
      }
      %dma_wait3A = arith.constant 0 : i32
      %dma_wait3A_39 = arith.constant 0 : i32
      %dma_wait3A_40 = tpu.memref_slice %arg5[%dma_wait3A, %dma_wait3A_39] : memref<2x128xi32, #tpu.memory_space<vmem>> -> memref<1x128xi32, #tpu.memory_space<vmem>>
      %dma_wait3A_41 = tpu.memref_squeeze %dma_wait3A_40 : memref<1x128xi32, #tpu.memory_space<vmem>> -> memref<128xi32, #tpu.memory_space<vmem>>
      %dma_wait3A_42 = arith.constant 0 : i32
      %dma_wait3A_43 = arith.constant 0 : i32
      %dma_wait3A_44 = tpu.memref_slice %arg2[%dma_wait3A_42, %dma_wait3A_43] : memref<10112x128xf32, #tpu.memory_space<hbm>> -> memref<10112x128xf32, #tpu.memory_space<hbm>>
      tpu.wait_indirect_dma semaphore(%arg10 : memref<!tpu.dma_semaphore, #tpu.memory_space<semaphore_mem>>) src(%dma_wait3A_44 : memref<10112x128xf32, #tpu.memory_space<hbm>>) dst(%arg7 : memref<128x128xf32, #tpu.memory_space<vmem>>)
      %run_scoped3A_45 = arith.constant 1 : i32
      "tpu.region"() ({
        %run_scoped3A_56 = tpu.sem_alloc : memref<!tpu.dma_semaphore, #tpu.memory_space<semaphore_mem>>
        %dma_start3A_57 = arith.constant 0 : i32
        %dma_start3A_58 = tpu.memref_slice %arg5[%run_scoped3A_45, %dma_start3A_57] : memref<2x128xi32, #tpu.memory_space<vmem>> -> memref<1x128xi32, #tpu.memory_space<vmem>>
        %dma_start3A_59 = tpu.memref_squeeze %dma_start3A_58 : memref<1x128xi32, #tpu.memory_space<vmem>> -> memref<128xi32, #tpu.memory_space<vmem>>
        %dma_start3A_60 = arith.constant 0 : i32
        %dma_start3A_61 = arith.constant 0 : i32
        %dma_start3A_62 = tpu.memref_slice %arg9[%dma_start3A_60, %dma_start3A_61] : memref<10112x128xf32, #tpu.memory_space<vmem_shared>> -> memref<10112x128xf32, #tpu.memory_space<vmem_shared>>
        tpu.enqueue_indirect_dma source(%arg7 : memref<128x128xf32, #tpu.memory_space<vmem>>) target(%dma_start3A_62 : memref<10112x128xf32, #tpu.memory_space<vmem_shared>>) offsets(%dma_start3A_59 : memref<128xi32, #tpu.memory_space<vmem>>) semaphore(%run_scoped3A_56 : memref<!tpu.dma_semaphore, #tpu.memory_space<semaphore_mem>>) {add = true}
        %dma_wait3A_63 = arith.constant 0 : i32
        %dma_wait3A_64 = tpu.memref_slice %arg5[%run_scoped3A_45, %dma_wait3A_63] : memref<2x128xi32, #tpu.memory_space<vmem>> -> memref<1x128xi32, #tpu.memory_space<vmem>>
        %dma_wait3A_65 = tpu.memref_squeeze %dma_wait3A_64 : memref<1x128xi32, #tpu.memory_space<vmem>> -> memref<128xi32, #tpu.memory_space<vmem>>
        %dma_wait3A_66 = arith.constant 0 : i32
        %dma_wait3A_67 = arith.constant 0 : i32
        %dma_wait3A_68 = tpu.memref_slice %arg9[%dma_wait3A_66, %dma_wait3A_67] : memref<10112x128xf32, #tpu.memory_space<vmem_shared>> -> memref<10112x128xf32, #tpu.memory_space<vmem_shared>>
        tpu.wait_indirect_dma semaphore(%run_scoped3A_56 : memref<!tpu.dma_semaphore, #tpu.memory_space<semaphore_mem>>) src(%arg7 : memref<128x128xf32, #tpu.memory_space<vmem>>) dst(%dma_wait3A_68 : memref<10112x128xf32, #tpu.memory_space<vmem_shared>>)
        tpu.yield
      }) : () -> ()
      %lt3A_46 = arith.constant 79 : i32
      %lt3A_47 = arith.cmpi slt, %add3A_32, %lt3A_46 : i32
      %convert_element_type3A_48 = arith.extui %lt3A_47 : i1 to i32
      %cond3A_49 = arith.constant 0 : i32
      %cond3A_50 = arith.cmpi ne, %convert_element_type3A_48, %cond3A_49 : i32
      scf.if %cond3A_50 {
        %dma_start3A_56 = arith.constant 0 : i32
        %dma_start3A_57 = arith.constant 0 : i32
        %dma_start3A_58 = tpu.memref_slice %arg3[%add3A, %add3A_32, %dma_start3A_56, %dma_start3A_57] : memref<32x79x2x128xi32, #tpu.memory_space<hbm>> -> memref<1x1x2x128xi32, #tpu.memory_space<hbm>>
        %dma_start3A_59 = tpu.memref_squeeze %dma_start3A_58 : memref<1x1x2x128xi32, #tpu.memory_space<hbm>> -> memref<2x128xi32, #tpu.memory_space<hbm>>
        %dma_start3A_60 = arith.constant 0 : i32
        %dma_start3A_61 = arith.constant 0 : i32
        %dma_start3A_62 = tpu.memref_slice %arg3[%add3A, %add3A_32, %dma_start3A_60, %dma_start3A_61] : memref<32x79x2x128xi32, #tpu.memory_space<hbm>> -> memref<1x1x2x128xi32, #tpu.memory_space<hbm>>
        %dma_start3A_63 = tpu.memref_squeeze %dma_start3A_62 : memref<1x1x2x128xi32, #tpu.memory_space<hbm>> -> memref<2x128xi32, #tpu.memory_space<hbm>>
        tpu.enqueue_dma source(%dma_start3A_63 : memref<2x128xi32, #tpu.memory_space<hbm>>) target(%arg5 : memref<2x128xi32, #tpu.memory_space<vmem>>) target_semaphore(%arg12 : memref<!tpu.dma_semaphore, #tpu.memory_space<semaphore_mem>>)
      } else {
      }
      %lt3A_51 = arith.constant 79 : i32
      %lt3A_52 = arith.cmpi slt, %add3A_28, %lt3A_51 : i32
      %convert_element_type3A_53 = arith.extui %lt3A_52 : i1 to i32
      %cond3A_54 = arith.constant 0 : i32
      %cond3A_55 = arith.cmpi ne, %convert_element_type3A_53, %cond3A_54 : i32
      scf.if %cond3A_55 {
        %lt3A_56 = arith.constant 79 : i32
        %lt3A_57 = arith.cmpi slt, %add3A_32, %lt3A_56 : i32
        %convert_element_type3A_58 = arith.extui %lt3A_57 : i1 to i32
        %cond3A_59 = arith.constant 0 : i32
        %cond3A_60 = arith.cmpi ne, %convert_element_type3A_58, %cond3A_59 : i32
        scf.if %cond3A_60 {
          %dma_wait3A_74 = arith.constant 0 : i32
          %dma_wait3A_75 = arith.constant 0 : i32
          %dma_wait3A_76 = tpu.memref_slice %arg3[%add3A, %add3A_32, %dma_wait3A_74, %dma_wait3A_75] : memref<32x79x2x128xi32, #tpu.memory_space<hbm>> -> memref<1x1x2x128xi32, #tpu.memory_space<hbm>>
          %dma_wait3A_77 = tpu.memref_squeeze %dma_wait3A_76 : memref<1x1x2x128xi32, #tpu.memory_space<hbm>> -> memref<2x128xi32, #tpu.memory_space<hbm>>
          %dma_wait3A_78 = arith.constant 0 : i32
          %dma_wait3A_79 = arith.constant 0 : i32
          %dma_wait3A_80 = tpu.memref_slice %arg3[%add3A, %add3A_32, %dma_wait3A_78, %dma_wait3A_79] : memref<32x79x2x128xi32, #tpu.memory_space<hbm>> -> memref<1x1x2x128xi32, #tpu.memory_space<hbm>>
          %dma_wait3A_81 = tpu.memref_squeeze %dma_wait3A_80 : memref<1x1x2x128xi32, #tpu.memory_space<hbm>> -> memref<2x128xi32, #tpu.memory_space<hbm>>
          tpu.wait_dma2 semaphore(%arg12 : memref<!tpu.dma_semaphore, #tpu.memory_space<semaphore_mem>>) src(%dma_wait3A_81 : memref<2x128xi32, #tpu.memory_space<hbm>>) dst(%arg5 : memref<2x128xi32, #tpu.memory_space<vmem>>)
          %dma_start3A_82 = arith.constant 0 : i32
          %dma_start3A_83 = arith.constant 0 : i32
          %dma_start3A_84 = tpu.memref_slice %arg5[%dma_start3A_82, %dma_start3A_83] : memref<2x128xi32, #tpu.memory_space<vmem>> -> memref<1x128xi32, #tpu.memory_space<vmem>>
          %dma_start3A_85 = tpu.memref_squeeze %dma_start3A_84 : memref<1x128xi32, #tpu.memory_space<vmem>> -> memref<128xi32, #tpu.memory_space<vmem>>
          %dma_start3A_86 = arith.constant 0 : i32
          %dma_start3A_87 = arith.constant 0 : i32
          %dma_start3A_88 = tpu.memref_slice %arg2[%dma_start3A_86, %dma_start3A_87] : memref<10112x128xf32, #tpu.memory_space<hbm>> -> memref<10112x128xf32, #tpu.memory_space<hbm>>
          tpu.enqueue_indirect_dma source(%dma_start3A_88 : memref<10112x128xf32, #tpu.memory_space<hbm>>) target(%arg7 : memref<128x128xf32, #tpu.memory_space<vmem>>) offsets(%dma_start3A_85 : memref<128xi32, #tpu.memory_space<vmem>>) semaphore(%arg10 : memref<!tpu.dma_semaphore, #tpu.memory_space<semaphore_mem>>)
        } else {
        }
        %dma_wait3A_61 = arith.constant 0 : i32
        %dma_wait3A_62 = arith.constant 0 : i32
        %dma_wait3A_63 = tpu.memref_slice %arg6[%dma_wait3A_61, %dma_wait3A_62] : memref<2x128xi32, #tpu.memory_space<vmem>> -> memref<1x128xi32, #tpu.memory_space<vmem>>
        %dma_wait3A_64 = tpu.memref_squeeze %dma_wait3A_63 : memref<1x128xi32, #tpu.memory_space<vmem>> -> memref<128xi32, #tpu.memory_space<vmem>>
        %dma_wait3A_65 = arith.constant 0 : i32
        %dma_wait3A_66 = arith.constant 0 : i32
        %dma_wait3A_67 = tpu.memref_slice %arg2[%dma_wait3A_65, %dma_wait3A_66] : memref<10112x128xf32, #tpu.memory_space<hbm>> -> memref<10112x128xf32, #tpu.memory_space<hbm>>
        tpu.wait_indirect_dma semaphore(%arg11 : memref<!tpu.dma_semaphore, #tpu.memory_space<semaphore_mem>>) src(%dma_wait3A_67 : memref<10112x128xf32, #tpu.memory_space<hbm>>) dst(%arg8 : memref<128x128xf32, #tpu.memory_space<vmem>>)
        %run_scoped3A_68 = arith.constant 1 : i32
        "tpu.region"() ({
          %run_scoped3A_74 = tpu.sem_alloc : memref<!tpu.dma_semaphore, #tpu.memory_space<semaphore_mem>>
          %dma_start3A_75 = arith.constant 0 : i32
          %dma_start3A_76 = tpu.memref_slice %arg6[%run_scoped3A_68, %dma_start3A_75] : memref<2x128xi32, #tpu.memory_space<vmem>> -> memref<1x128xi32, #tpu.memory_space<vmem>>
          %dma_start3A_77 = tpu.memref_squeeze %dma_start3A_76 : memref<1x128xi32, #tpu.memory_space<vmem>> -> memref<128xi32, #tpu.memory_space<vmem>>
          %dma_start3A_78 = arith.constant 0 : i32
          %dma_start3A_79 = arith.constant 0 : i32
          %dma_start3A_80 = tpu.memref_slice %arg9[%dma_start3A_78, %dma_start3A_79] : memref<10112x128xf32, #tpu.memory_space<vmem_shared>> -> memref<10112x128xf32, #tpu.memory_space<vmem_shared>>
          tpu.enqueue_indirect_dma source(%arg8 : memref<128x128xf32, #tpu.memory_space<vmem>>) target(%dma_start3A_80 : memref<10112x128xf32, #tpu.memory_space<vmem_shared>>) offsets(%dma_start3A_77 : memref<128xi32, #tpu.memory_space<vmem>>) semaphore(%run_scoped3A_74 : memref<!tpu.dma_semaphore, #tpu.memory_space<semaphore_mem>>) {add = true}
          %dma_wait3A_81 = arith.constant 0 : i32
          %dma_wait3A_82 = tpu.memref_slice %arg6[%run_scoped3A_68, %dma_wait3A_81] : memref<2x128xi32, #tpu.memory_space<vmem>> -> memref<1x128xi32, #tpu.memory_space<vmem>>
          %dma_wait3A_83 = tpu.memref_squeeze %dma_wait3A_82 : memref<1x128xi32, #tpu.memory_space<vmem>> -> memref<128xi32, #tpu.memory_space<vmem>>
          %dma_wait3A_84 = arith.constant 0 : i32
          %dma_wait3A_85 = arith.constant 0 : i32
          %dma_wait3A_86 = tpu.memref_slice %arg9[%dma_wait3A_84, %dma_wait3A_85] : memref<10112x128xf32, #tpu.memory_space<vmem_shared>> -> memref<10112x128xf32, #tpu.memory_space<vmem_shared>>
          tpu.wait_indirect_dma semaphore(%run_scoped3A_74 : memref<!tpu.dma_semaphore, #tpu.memory_space<semaphore_mem>>) src(%arg8 : memref<128x128xf32, #tpu.memory_space<vmem>>) dst(%dma_wait3A_86 : memref<10112x128xf32, #tpu.memory_space<vmem_shared>>)
          tpu.yield
        }) : () -> ()
        %lt3A_69 = arith.constant 79 : i32
        %lt3A_70 = arith.cmpi slt, %add3A_36, %lt3A_69 : i32
        %convert_element_type3A_71 = arith.extui %lt3A_70 : i1 to i32
        %cond3A_72 = arith.constant 0 : i32
        %cond3A_73 = arith.cmpi ne, %convert_element_type3A_71, %cond3A_72 : i32
        scf.if %cond3A_73 {
          %dma_start3A_74 = arith.constant 0 : i32
          %dma_start3A_75 = arith.constant 0 : i32
          %dma_start3A_76 = tpu.memref_slice %arg3[%add3A, %add3A_36, %dma_start3A_74, %dma_start3A_75] : memref<32x79x2x128xi32, #tpu.memory_space<hbm>> -> memref<1x1x2x128xi32, #tpu.memory_space<hbm>>
          %dma_start3A_77 = tpu.memref_squeeze %dma_start3A_76 : memref<1x1x2x128xi32, #tpu.memory_space<hbm>> -> memref<2x128xi32, #tpu.memory_space<hbm>>
          %dma_start3A_78 = arith.constant 0 : i32
          %dma_start3A_79 = arith.constant 0 : i32
          %dma_start3A_80 = tpu.memref_slice %arg3[%add3A, %add3A_36, %dma_start3A_78, %dma_start3A_79] : memref<32x79x2x128xi32, #tpu.memory_space<hbm>> -> memref<1x1x2x128xi32, #tpu.memory_space<hbm>>
          %dma_start3A_81 = tpu.memref_squeeze %dma_start3A_80 : memref<1x1x2x128xi32, #tpu.memory_space<hbm>> -> memref<2x128xi32, #tpu.memory_space<hbm>>
          tpu.enqueue_dma source(%dma_start3A_81 : memref<2x128xi32, #tpu.memory_space<hbm>>) target(%arg6 : memref<2x128xi32, #tpu.memory_space<vmem>>) target_semaphore(%arg13 : memref<!tpu.dma_semaphore, #tpu.memory_space<semaphore_mem>>)
        } else {
        }
      } else {
      }
    }
    %scan3A_22 = arith.constant 40 : i32
    %barrier3A_23 = arith.constant 0 : index
    tpu.barrier barrier_id(%barrier3A_23)
    "tpu.region"() ({
      %run_scoped3A_24 = tpu.sem_alloc : memref<!tpu.dma_semaphore, #tpu.memory_space<semaphore_mem>>
      %dma_start3A_25 = arith.constant 0 : i32
      %dma_start3A_26 = tpu.memref_slice %arg4[%arg0, %mul3A_2, %dma_start3A_25] : memref<2x10112x128xf32, #tpu.memory_space<hbm>> -> memref<1x632x128xf32, #tpu.memory_space<hbm>>
      %dma_start3A_27 = tpu.memref_squeeze %dma_start3A_26 : memref<1x632x128xf32, #tpu.memory_space<hbm>> -> memref<632x128xf32, #tpu.memory_space<hbm>>
      %dma_start3A_28 = arith.constant 0 : i32
      %dma_start3A_29 = tpu.memref_slice %arg9[%mul3A_2, %dma_start3A_28] : memref<10112x128xf32, #tpu.memory_space<vmem_shared>> -> memref<632x128xf32, #tpu.memory_space<vmem_shared>>
      tpu.enqueue_dma source(%dma_start3A_29 : memref<632x128xf32, #tpu.memory_space<vmem_shared>>) target(%dma_start3A_27 : memref<632x128xf32, #tpu.memory_space<hbm>>) target_semaphore(%run_scoped3A_24 : memref<!tpu.dma_semaphore, #tpu.memory_space<semaphore_mem>>)
      %dma_wait3A = arith.constant 0 : i32
      %dma_wait3A_30 = tpu.memref_slice %arg4[%arg0, %mul3A_2, %dma_wait3A] : memref<2x10112x128xf32, #tpu.memory_space<hbm>> -> memref<1x632x128xf32, #tpu.memory_space<hbm>>
      %dma_wait3A_31 = tpu.memref_squeeze %dma_wait3A_30 : memref<1x632x128xf32, #tpu.memory_space<hbm>> -> memref<632x128xf32, #tpu.memory_space<hbm>>
      %dma_wait3A_32 = arith.constant 0 : i32
      %dma_wait3A_33 = tpu.memref_slice %arg9[%mul3A_2, %dma_wait3A_32] : memref<10112x128xf32, #tpu.memory_space<vmem_shared>> -> memref<632x128xf32, #tpu.memory_space<vmem_shared>>
      tpu.wait_dma2 semaphore(%run_scoped3A_24 : memref<!tpu.dma_semaphore, #tpu.memory_space<semaphore_mem>>) src(%dma_wait3A_33 : memref<632x128xf32, #tpu.memory_space<vmem_shared>>) dst(%dma_wait3A_31 : memref<632x128xf32, #tpu.memory_space<hbm>>)
      tpu.yield
    }) : () -> ()
    return
  }
}

#map = affine_map<(d0, d1) -> (0, 0)>
#map1 = affine_map<(d0, d1) -> (0, 0, 0, 0)>
#map2 = affine_map<(d0, d1) -> (0, 0, 0)>
module attributes {stable_mosaic.version = 14 : i64} {
  func.func @agg(%arg0: i32, %arg1: i32, %arg2: memref<10112x128xf32, #tpu.memory_space<hbm>>, %arg3: memref<32x79x2x128xi32, #tpu.memory_space<hbm>>, %arg4: memref<2x10112x128xf32, #tpu.memory_space<hbm>>, %arg5: memref<2x128xi32, #tpu.memory_space<vmem>>, %arg6: memref<2x128xi32, #tpu.memory_space<vmem>>, %arg7: memref<128x128xf32, #tpu.memory_space<vmem>>, %arg8: memref<128x128xf32, #tpu.memory_space<vmem>>, %arg9: memref<10112x128xf32, #tpu.memory_space<vmem_shared>>, %arg10: memref<!tpu.dma_semaphore, #tpu.memory_space<semaphore_mem>>, %arg11: memref<!tpu.dma_semaphore, #tpu.memory_space<semaphore_mem>>, %arg12: memref<!tpu.dma_semaphore, #tpu.memory_space<semaphore_mem>>, %arg13: memref<!tpu.dma_semaphore, #tpu.memory_space<semaphore_mem>>) attributes {dimension_semantics = [#tpu.dimension_semantics<core_parallel>, #tpu.dimension_semantics<subcore_parallel>], iteration_bounds = array<i64: 2, 16>, scalar_prefetch = 0 : i64, scratch_operands = 9 : i64, tpu.core_type = #tpu.core_type<sc_vector_subcore>, window_params = [{transform_indices = #map}, {transform_indices = #map1}, {transform_indices = #map2}]} {
    %mul3A = arith.constant 16 : i32
    %mul3A_0 = arith.muli %arg0, %mul3A : i32
    %add3A = arith.addi %mul3A_0, %arg1 : i32
    %mul3A_1 = arith.constant 632 : i32
    %mul3A_2 = arith.muli %arg1, %mul3A_1 : i32
    "tpu.region"() ({
      %run_scoped3A_24 = tpu.sem_alloc : memref<!tpu.dma_semaphore, #tpu.memory_space<semaphore_mem>>
      %dma_start3A_25 = arith.constant 0 : i32
      %dma_start3A_26 = tpu.memref_slice %arg9[%mul3A_2, %dma_start3A_25] : memref<10112x128xf32, #tpu.memory_space<vmem_shared>> -> memref<632x128xf32, #tpu.memory_space<vmem_shared>>
      %dma_start3A_27 = arith.constant 0 : i32
      %dma_start3A_28 = tpu.memref_slice %arg2[%mul3A_2, %dma_start3A_27] : memref<10112x128xf32, #tpu.memory_space<hbm>> -> memref<632x128xf32, #tpu.memory_space<hbm>>
      tpu.enqueue_dma source(%dma_start3A_28 : memref<632x128xf32, #tpu.memory_space<hbm>>) target(%dma_start3A_26 : memref<632x128xf32, #tpu.memory_space<vmem_shared>>) target_semaphore(%run_scoped3A_24 : memref<!tpu.dma_semaphore, #tpu.memory_space<semaphore_mem>>)
      %dma_wait3A = arith.constant 0 : i32
      %dma_wait3A_29 = tpu.memref_slice %arg9[%mul3A_2, %dma_wait3A] : memref<10112x128xf32, #tpu.memory_space<vmem_shared>> -> memref<632x128xf32, #tpu.memory_space<vmem_shared>>
      %dma_wait3A_30 = arith.constant 0 : i32
      %dma_wait3A_31 = tpu.memref_slice %arg2[%mul3A_2, %dma_wait3A_30] : memref<10112x128xf32, #tpu.memory_space<hbm>> -> memref<632x128xf32, #tpu.memory_space<hbm>>
      tpu.wait_dma2 semaphore(%run_scoped3A_24 : memref<!tpu.dma_semaphore, #tpu.memory_space<semaphore_mem>>) src(%dma_wait3A_31 : memref<632x128xf32, #tpu.memory_space<hbm>>) dst(%dma_wait3A_29 : memref<632x128xf32, #tpu.memory_space<vmem_shared>>)
      tpu.yield
    }) : () -> ()
    %barrier3A = arith.constant 0 : index
    tpu.barrier barrier_id(%barrier3A)
    %run_scoped3A = arith.constant 0 : i32
    "tpu.region"() ({
      %run_scoped3A_24 = tpu.sem_alloc : memref<!tpu.dma_semaphore, #tpu.memory_space<semaphore_mem>>
      %dma_start3A_25 = arith.constant 0 : i32
      %dma_start3A_26 = arith.constant 0 : i32
      %dma_start3A_27 = tpu.memref_slice %arg3[%add3A, %run_scoped3A, %dma_start3A_25, %dma_start3A_26] : memref<32x79x2x128xi32, #tpu.memory_space<hbm>> -> memref<1x1x2x128xi32, #tpu.memory_space<hbm>>
      %dma_start3A_28 = tpu.memref_squeeze %dma_start3A_27 : memref<1x1x2x128xi32, #tpu.memory_space<hbm>> -> memref<2x128xi32, #tpu.memory_space<hbm>>
      %dma_start3A_29 = arith.constant 0 : i32
      %dma_start3A_30 = arith.constant 0 : i32
      %dma_start3A_31 = tpu.memref_slice %arg3[%add3A, %run_scoped3A, %dma_start3A_29, %dma_start3A_30] : memref<32x79x2x128xi32, #tpu.memory_space<hbm>> -> memref<1x1x2x128xi32, #tpu.memory_space<hbm>>
      %dma_start3A_32 = tpu.memref_squeeze %dma_start3A_31 : memref<1x1x2x128xi32, #tpu.memory_space<hbm>> -> memref<2x128xi32, #tpu.memory_space<hbm>>
      tpu.enqueue_dma source(%dma_start3A_32 : memref<2x128xi32, #tpu.memory_space<hbm>>) target(%arg5 : memref<2x128xi32, #tpu.memory_space<vmem>>) target_semaphore(%run_scoped3A_24 : memref<!tpu.dma_semaphore, #tpu.memory_space<semaphore_mem>>)
      %dma_wait3A = arith.constant 0 : i32
      %dma_wait3A_33 = arith.constant 0 : i32
      %dma_wait3A_34 = tpu.memref_slice %arg3[%add3A, %run_scoped3A, %dma_wait3A, %dma_wait3A_33] : memref<32x79x2x128xi32, #tpu.memory_space<hbm>> -> memref<1x1x2x128xi32, #tpu.memory_space<hbm>>
      %dma_wait3A_35 = tpu.memref_squeeze %dma_wait3A_34 : memref<1x1x2x128xi32, #tpu.memory_space<hbm>> -> memref<2x128xi32, #tpu.memory_space<hbm>>
      %dma_wait3A_36 = arith.constant 0 : i32
      %dma_wait3A_37 = arith.constant 0 : i32
      %dma_wait3A_38 = tpu.memref_slice %arg3[%add3A, %run_scoped3A, %dma_wait3A_36, %dma_wait3A_37] : memref<32x79x2x128xi32, #tpu.memory_space<hbm>> -> memref<1x1x2x128xi32, #tpu.memory_space<hbm>>
      %dma_wait3A_39 = tpu.memref_squeeze %dma_wait3A_38 : memref<1x1x2x128xi32, #tpu.memory_space<hbm>> -> memref<2x128xi32, #tpu.memory_space<hbm>>
      tpu.wait_dma2 semaphore(%run_scoped3A_24 : memref<!tpu.dma_semaphore, #tpu.memory_space<semaphore_mem>>) src(%dma_wait3A_39 : memref<2x128xi32, #tpu.memory_space<hbm>>) dst(%arg5 : memref<2x128xi32, #tpu.memory_space<vmem>>)
      tpu.yield
    }) : () -> ()
    %dma_start3A = arith.constant 0 : i32
    %dma_start3A_3 = arith.constant 0 : i32
    %dma_start3A_4 = tpu.memref_slice %arg5[%dma_start3A, %dma_start3A_3] : memref<2x128xi32, #tpu.memory_space<vmem>> -> memref<1x128xi32, #tpu.memory_space<vmem>>
    %dma_start3A_5 = tpu.memref_squeeze %dma_start3A_4 : memref<1x128xi32, #tpu.memory_space<vmem>> -> memref<128xi32, #tpu.memory_space<vmem>>
    %dma_start3A_6 = arith.constant 0 : i32
    %dma_start3A_7 = arith.constant 0 : i32
    %dma_start3A_8 = tpu.memref_slice %arg2[%dma_start3A_6, %dma_start3A_7] : memref<10112x128xf32, #tpu.memory_space<hbm>> -> memref<10112x128xf32, #tpu.memory_space<hbm>>
    tpu.enqueue_indirect_dma source(%dma_start3A_8 : memref<10112x128xf32, #tpu.memory_space<hbm>>) target(%arg7 : memref<128x128xf32, #tpu.memory_space<vmem>>) offsets(%dma_start3A_5 : memref<128xi32, #tpu.memory_space<vmem>>) semaphore(%arg10 : memref<!tpu.dma_semaphore, #tpu.memory_space<semaphore_mem>>)
    %dma_start3A_9 = arith.constant 1 : i32
    %dma_start3A_10 = arith.constant 0 : i32
    %dma_start3A_11 = arith.constant 0 : i32
    %dma_start3A_12 = tpu.memref_slice %arg3[%add3A, %dma_start3A_9, %dma_start3A_10, %dma_start3A_11] : memref<32x79x2x128xi32, #tpu.memory_space<hbm>> -> memref<1x1x2x128xi32, #tpu.memory_space<hbm>>
    %dma_start3A_13 = tpu.memref_squeeze %dma_start3A_12 : memref<1x1x2x128xi32, #tpu.memory_space<hbm>> -> memref<2x128xi32, #tpu.memory_space<hbm>>
    %dma_start3A_14 = arith.constant 0 : i32
    %dma_start3A_15 = arith.constant 0 : i32
    %dma_start3A_16 = tpu.memref_slice %arg3[%add3A, %dma_start3A_9, %dma_start3A_14, %dma_start3A_15] : memref<32x79x2x128xi32, #tpu.memory_space<hbm>> -> memref<1x1x2x128xi32, #tpu.memory_space<hbm>>
    %dma_start3A_17 = tpu.memref_squeeze %dma_start3A_16 : memref<1x1x2x128xi32, #tpu.memory_space<hbm>> -> memref<2x128xi32, #tpu.memory_space<hbm>>
    tpu.enqueue_dma source(%dma_start3A_17 : memref<2x128xi32, #tpu.memory_space<hbm>>) target(%arg6 : memref<2x128xi32, #tpu.memory_space<vmem>>) target_semaphore(%arg13 : memref<!tpu.dma_semaphore, #tpu.memory_space<semaphore_mem>>)
    %scan3A = arith.constant 0 : i32
    %scan3A_18 = arith.constant 0 : i32
    %scan3A_19 = arith.constant 40 : i32
    %scan3A_20 = arith.addi %scan3A_18, %scan3A_19 : i32
    %scan3A_21 = arith.constant 1 : i32
    scf.for %scan3A_24 = %scan3A_18 to %scan3A_20 step %scan3A_21  : i32 {
      %mul3A_25 = arith.constant 2 : i32
      %mul3A_26 = arith.muli %mul3A_25, %scan3A_24 : i32
      %add3A_27 = arith.constant 1 : i32
      %add3A_28 = arith.addi %mul3A_26, %add3A_27 : i32
      %mul3A_29 = arith.constant 2 : i32
      %mul3A_30 = arith.muli %mul3A_29, %scan3A_24 : i32
      %add3A_31 = arith.constant 2 : i32
      %add3A_32 = arith.addi %mul3A_30, %add3A_31 : i32
      %mul3A_33 = arith.constant 2 : i32
      %mul3A_34 = arith.muli %mul3A_33, %scan3A_24 : i32
      %add3A_35 = arith.constant 3 : i32
      %add3A_36 = arith.addi %mul3A_34, %add3A_35 : i32
      %lt3A = arith.constant 79 : i32
      %lt3A_37 = arith.cmpi slt, %add3A_28, %lt3A : i32
      %convert_element_type3A = arith.extui %lt3A_37 : i1 to i32
      %cond3A = arith.constant 0 : i32
      %cond3A_38 = arith.cmpi ne, %convert_element_type3A, %cond3A : i32
      scf.if %cond3A_38 {
        %dma_wait3A_56 = arith.constant 0 : i32
        %dma_wait3A_57 = arith.constant 0 : i32
        %dma_wait3A_58 = tpu.memref_slice %arg3[%add3A, %add3A_28, %dma_wait3A_56, %dma_wait3A_57] : memref<32x79x2x128xi32, #tpu.memory_space<hbm>> -> memref<1x1x2x128xi32, #tpu.memory_space<hbm>>
        %dma_wait3A_59 = tpu.memref_squeeze %dma_wait3A_58 : memref<1x1x2x128xi32, #tpu.memory_space<hbm>> -> memref<2x128xi32, #tpu.memory_space<hbm>>
        %dma_wait3A_60 = arith.constant 0 : i32
        %dma_wait3A_61 = arith.constant 0 : i32
        %dma_wait3A_62 = tpu.memref_slice %arg3[%add3A, %add3A_28, %dma_wait3A_60, %dma_wait3A_61] : memref<32x79x2x128xi32, #tpu.memory_space<hbm>> -> memref<1x1x2x128xi32, #tpu.memory_space<hbm>>
        %dma_wait3A_63 = tpu.memref_squeeze %dma_wait3A_62 : memref<1x1x2x128xi32, #tpu.memory_space<hbm>> -> memref<2x128xi32, #tpu.memory_space<hbm>>
        tpu.wait_dma2 semaphore(%arg13 : memref<!tpu.dma_semaphore, #tpu.memory_space<semaphore_mem>>) src(%dma_wait3A_63 : memref<2x128xi32, #tpu.memory_space<hbm>>) dst(%arg6 : memref<2x128xi32, #tpu.memory_space<vmem>>)
        %dma_start3A_64 = arith.constant 0 : i32
        %dma_start3A_65 = arith.constant 0 : i32
        %dma_start3A_66 = tpu.memref_slice %arg6[%dma_start3A_64, %dma_start3A_65] : memref<2x128xi32, #tpu.memory_space<vmem>> -> memref<1x128xi32, #tpu.memory_space<vmem>>
        %dma_start3A_67 = tpu.memref_squeeze %dma_start3A_66 : memref<1x128xi32, #tpu.memory_space<vmem>> -> memref<128xi32, #tpu.memory_space<vmem>>
        %dma_start3A_68 = arith.constant 0 : i32
        %dma_start3A_69 = arith.constant 0 : i32
        %dma_start3A_70 = tpu.memref_slice %arg2[%dma_start3A_68, %dma_start3A_69] : memref<10112x128xf32, #tpu.memory_space<hbm>> -> memref<10112x128xf32, #tpu.memory_space<hbm>>
        tpu.enqueue_indirect_dma source(%dma_start3A_70 : memref<10112x128xf32, #tpu.memory_space<hbm>>) target(%arg8 : memref<128x128xf32, #tpu.memory_space<vmem>>) offsets(%dma_start3A_67 : memref<128xi32, #tpu.memory_space<vmem>>) semaphore(%arg11 : memref<!tpu.dma_semaphore, #tpu.memory_space<semaphore_mem>>)
      } else {
      }
      %dma_wait3A = arith.constant 0 : i32
      %dma_wait3A_39 = arith.constant 0 : i32
      %dma_wait3A_40 = tpu.memref_slice %arg5[%dma_wait3A, %dma_wait3A_39] : memref<2x128xi32, #tpu.memory_space<vmem>> -> memref<1x128xi32, #tpu.memory_space<vmem>>
      %dma_wait3A_41 = tpu.memref_squeeze %dma_wait3A_40 : memref<1x128xi32, #tpu.memory_space<vmem>> -> memref<128xi32, #tpu.memory_space<vmem>>
      %dma_wait3A_42 = arith.constant 0 : i32
      %dma_wait3A_43 = arith.constant 0 : i32
      %dma_wait3A_44 = tpu.memref_slice %arg2[%dma_wait3A_42, %dma_wait3A_43] : memref<10112x128xf32, #tpu.memory_space<hbm>> -> memref<10112x128xf32, #tpu.memory_space<hbm>>
      tpu.wait_indirect_dma semaphore(%arg10 : memref<!tpu.dma_semaphore, #tpu.memory_space<semaphore_mem>>) src(%dma_wait3A_44 : memref<10112x128xf32, #tpu.memory_space<hbm>>) dst(%arg7 : memref<128x128xf32, #tpu.memory_space<vmem>>)
      %run_scoped3A_45 = arith.constant 1 : i32
      "tpu.region"() ({
        %run_scoped3A_56 = tpu.sem_alloc : memref<!tpu.dma_semaphore, #tpu.memory_space<semaphore_mem>>
        %dma_start3A_57 = arith.constant 0 : i32
        %dma_start3A_58 = tpu.memref_slice %arg5[%run_scoped3A_45, %dma_start3A_57] : memref<2x128xi32, #tpu.memory_space<vmem>> -> memref<1x128xi32, #tpu.memory_space<vmem>>
        %dma_start3A_59 = tpu.memref_squeeze %dma_start3A_58 : memref<1x128xi32, #tpu.memory_space<vmem>> -> memref<128xi32, #tpu.memory_space<vmem>>
        %dma_start3A_60 = arith.constant 0 : i32
        %dma_start3A_61 = arith.constant 0 : i32
        %dma_start3A_62 = tpu.memref_slice %arg9[%dma_start3A_60, %dma_start3A_61] : memref<10112x128xf32, #tpu.memory_space<vmem_shared>> -> memref<10112x128xf32, #tpu.memory_space<vmem_shared>>
        tpu.enqueue_indirect_dma source(%arg7 : memref<128x128xf32, #tpu.memory_space<vmem>>) target(%dma_start3A_62 : memref<10112x128xf32, #tpu.memory_space<vmem_shared>>) offsets(%dma_start3A_59 : memref<128xi32, #tpu.memory_space<vmem>>) semaphore(%run_scoped3A_56 : memref<!tpu.dma_semaphore, #tpu.memory_space<semaphore_mem>>) {add = true}
        %dma_wait3A_63 = arith.constant 0 : i32
        %dma_wait3A_64 = tpu.memref_slice %arg5[%run_scoped3A_45, %dma_wait3A_63] : memref<2x128xi32, #tpu.memory_space<vmem>> -> memref<1x128xi32, #tpu.memory_space<vmem>>
        %dma_wait3A_65 = tpu.memref_squeeze %dma_wait3A_64 : memref<1x128xi32, #tpu.memory_space<vmem>> -> memref<128xi32, #tpu.memory_space<vmem>>
        %dma_wait3A_66 = arith.constant 0 : i32
        %dma_wait3A_67 = arith.constant 0 : i32
        %dma_wait3A_68 = tpu.memref_slice %arg9[%dma_wait3A_66, %dma_wait3A_67] : memref<10112x128xf32, #tpu.memory_space<vmem_shared>> -> memref<10112x128xf32, #tpu.memory_space<vmem_shared>>
        tpu.wait_indirect_dma semaphore(%run_scoped3A_56 : memref<!tpu.dma_semaphore, #tpu.memory_space<semaphore_mem>>) src(%arg7 : memref<128x128xf32, #tpu.memory_space<vmem>>) dst(%dma_wait3A_68 : memref<10112x128xf32, #tpu.memory_space<vmem_shared>>)
        tpu.yield
      }) : () -> ()
      %lt3A_46 = arith.constant 79 : i32
      %lt3A_47 = arith.cmpi slt, %add3A_32, %lt3A_46 : i32
      %convert_element_type3A_48 = arith.extui %lt3A_47 : i1 to i32
      %cond3A_49 = arith.constant 0 : i32
      %cond3A_50 = arith.cmpi ne, %convert_element_type3A_48, %cond3A_49 : i32
      scf.if %cond3A_50 {
        %dma_start3A_56 = arith.constant 0 : i32
        %dma_start3A_57 = arith.constant 0 : i32
        %dma_start3A_58 = tpu.memref_slice %arg3[%add3A, %add3A_32, %dma_start3A_56, %dma_start3A_57] : memref<32x79x2x128xi32, #tpu.memory_space<hbm>> -> memref<1x1x2x128xi32, #tpu.memory_space<hbm>>
        %dma_start3A_59 = tpu.memref_squeeze %dma_start3A_58 : memref<1x1x2x128xi32, #tpu.memory_space<hbm>> -> memref<2x128xi32, #tpu.memory_space<hbm>>
        %dma_start3A_60 = arith.constant 0 : i32
        %dma_start3A_61 = arith.constant 0 : i32
        %dma_start3A_62 = tpu.memref_slice %arg3[%add3A, %add3A_32, %dma_start3A_60, %dma_start3A_61] : memref<32x79x2x128xi32, #tpu.memory_space<hbm>> -> memref<1x1x2x128xi32, #tpu.memory_space<hbm>>
        %dma_start3A_63 = tpu.memref_squeeze %dma_start3A_62 : memref<1x1x2x128xi32, #tpu.memory_space<hbm>> -> memref<2x128xi32, #tpu.memory_space<hbm>>
        tpu.enqueue_dma source(%dma_start3A_63 : memref<2x128xi32, #tpu.memory_space<hbm>>) target(%arg5 : memref<2x128xi32, #tpu.memory_space<vmem>>) target_semaphore(%arg12 : memref<!tpu.dma_semaphore, #tpu.memory_space<semaphore_mem>>)
      } else {
      }
      %lt3A_51 = arith.constant 79 : i32
      %lt3A_52 = arith.cmpi slt, %add3A_28, %lt3A_51 : i32
      %convert_element_type3A_53 = arith.extui %lt3A_52 : i1 to i32
      %cond3A_54 = arith.constant 0 : i32
      %cond3A_55 = arith.cmpi ne, %convert_element_type3A_53, %cond3A_54 : i32
      scf.if %cond3A_55 {
        %lt3A_56 = arith.constant 79 : i32
        %lt3A_57 = arith.cmpi slt, %add3A_32, %lt3A_56 : i32
        %convert_element_type3A_58 = arith.extui %lt3A_57 : i1 to i32
        %cond3A_59 = arith.constant 0 : i32
        %cond3A_60 = arith.cmpi ne, %convert_element_type3A_58, %cond3A_59 : i32
        scf.if %cond3A_60 {
          %dma_wait3A_74 = arith.constant 0 : i32
          %dma_wait3A_75 = arith.constant 0 : i32
          %dma_wait3A_76 = tpu.memref_slice %arg3[%add3A, %add3A_32, %dma_wait3A_74, %dma_wait3A_75] : memref<32x79x2x128xi32, #tpu.memory_space<hbm>> -> memref<1x1x2x128xi32, #tpu.memory_space<hbm>>
          %dma_wait3A_77 = tpu.memref_squeeze %dma_wait3A_76 : memref<1x1x2x128xi32, #tpu.memory_space<hbm>> -> memref<2x128xi32, #tpu.memory_space<hbm>>
          %dma_wait3A_78 = arith.constant 0 : i32
          %dma_wait3A_79 = arith.constant 0 : i32
          %dma_wait3A_80 = tpu.memref_slice %arg3[%add3A, %add3A_32, %dma_wait3A_78, %dma_wait3A_79] : memref<32x79x2x128xi32, #tpu.memory_space<hbm>> -> memref<1x1x2x128xi32, #tpu.memory_space<hbm>>
          %dma_wait3A_81 = tpu.memref_squeeze %dma_wait3A_80 : memref<1x1x2x128xi32, #tpu.memory_space<hbm>> -> memref<2x128xi32, #tpu.memory_space<hbm>>
          tpu.wait_dma2 semaphore(%arg12 : memref<!tpu.dma_semaphore, #tpu.memory_space<semaphore_mem>>) src(%dma_wait3A_81 : memref<2x128xi32, #tpu.memory_space<hbm>>) dst(%arg5 : memref<2x128xi32, #tpu.memory_space<vmem>>)
          %dma_start3A_82 = arith.constant 0 : i32
          %dma_start3A_83 = arith.constant 0 : i32
          %dma_start3A_84 = tpu.memref_slice %arg5[%dma_start3A_82, %dma_start3A_83] : memref<2x128xi32, #tpu.memory_space<vmem>> -> memref<1x128xi32, #tpu.memory_space<vmem>>
          %dma_start3A_85 = tpu.memref_squeeze %dma_start3A_84 : memref<1x128xi32, #tpu.memory_space<vmem>> -> memref<128xi32, #tpu.memory_space<vmem>>
          %dma_start3A_86 = arith.constant 0 : i32
          %dma_start3A_87 = arith.constant 0 : i32
          %dma_start3A_88 = tpu.memref_slice %arg2[%dma_start3A_86, %dma_start3A_87] : memref<10112x128xf32, #tpu.memory_space<hbm>> -> memref<10112x128xf32, #tpu.memory_space<hbm>>
          tpu.enqueue_indirect_dma source(%dma_start3A_88 : memref<10112x128xf32, #tpu.memory_space<hbm>>) target(%arg7 : memref<128x128xf32, #tpu.memory_space<vmem>>) offsets(%dma_start3A_85 : memref<128xi32, #tpu.memory_space<vmem>>) semaphore(%arg10 : memref<!tpu.dma_semaphore, #tpu.memory_space<semaphore_mem>>)
        } else {
        }
        %dma_wait3A_61 = arith.constant 0 : i32
        %dma_wait3A_62 = arith.constant 0 : i32
        %dma_wait3A_63 = tpu.memref_slice %arg6[%dma_wait3A_61, %dma_wait3A_62] : memref<2x128xi32, #tpu.memory_space<vmem>> -> memref<1x128xi32, #tpu.memory_space<vmem>>
        %dma_wait3A_64 = tpu.memref_squeeze %dma_wait3A_63 : memref<1x128xi32, #tpu.memory_space<vmem>> -> memref<128xi32, #tpu.memory_space<vmem>>
        %dma_wait3A_65 = arith.constant 0 : i32
        %dma_wait3A_66 = arith.constant 0 : i32
        %dma_wait3A_67 = tpu.memref_slice %arg2[%dma_wait3A_65, %dma_wait3A_66] : memref<10112x128xf32, #tpu.memory_space<hbm>> -> memref<10112x128xf32, #tpu.memory_space<hbm>>
        tpu.wait_indirect_dma semaphore(%arg11 : memref<!tpu.dma_semaphore, #tpu.memory_space<semaphore_mem>>) src(%dma_wait3A_67 : memref<10112x128xf32, #tpu.memory_space<hbm>>) dst(%arg8 : memref<128x128xf32, #tpu.memory_space<vmem>>)
        %run_scoped3A_68 = arith.constant 1 : i32
        "tpu.region"() ({
          %run_scoped3A_74 = tpu.sem_alloc : memref<!tpu.dma_semaphore, #tpu.memory_space<semaphore_mem>>
          %dma_start3A_75 = arith.constant 0 : i32
          %dma_start3A_76 = tpu.memref_slice %arg6[%run_scoped3A_68, %dma_start3A_75] : memref<2x128xi32, #tpu.memory_space<vmem>> -> memref<1x128xi32, #tpu.memory_space<vmem>>
          %dma_start3A_77 = tpu.memref_squeeze %dma_start3A_76 : memref<1x128xi32, #tpu.memory_space<vmem>> -> memref<128xi32, #tpu.memory_space<vmem>>
          %dma_start3A_78 = arith.constant 0 : i32
          %dma_start3A_79 = arith.constant 0 : i32
          %dma_start3A_80 = tpu.memref_slice %arg9[%dma_start3A_78, %dma_start3A_79] : memref<10112x128xf32, #tpu.memory_space<vmem_shared>> -> memref<10112x128xf32, #tpu.memory_space<vmem_shared>>
          tpu.enqueue_indirect_dma source(%arg8 : memref<128x128xf32, #tpu.memory_space<vmem>>) target(%dma_start3A_80 : memref<10112x128xf32, #tpu.memory_space<vmem_shared>>) offsets(%dma_start3A_77 : memref<128xi32, #tpu.memory_space<vmem>>) semaphore(%run_scoped3A_74 : memref<!tpu.dma_semaphore, #tpu.memory_space<semaphore_mem>>) {add = true}
          %dma_wait3A_81 = arith.constant 0 : i32
          %dma_wait3A_82 = tpu.memref_slice %arg6[%run_scoped3A_68, %dma_wait3A_81] : memref<2x128xi32, #tpu.memory_space<vmem>> -> memref<1x128xi32, #tpu.memory_space<vmem>>
          %dma_wait3A_83 = tpu.memref_squeeze %dma_wait3A_82 : memref<1x128xi32, #tpu.memory_space<vmem>> -> memref<128xi32, #tpu.memory_space<vmem>>
          %dma_wait3A_84 = arith.constant 0 : i32
          %dma_wait3A_85 = arith.constant 0 : i32
          %dma_wait3A_86 = tpu.memref_slice %arg9[%dma_wait3A_84, %dma_wait3A_85] : memref<10112x128xf32, #tpu.memory_space<vmem_shared>> -> memref<10112x128xf32, #tpu.memory_space<vmem_shared>>
          tpu.wait_indirect_dma semaphore(%run_scoped3A_74 : memref<!tpu.dma_semaphore, #tpu.memory_space<semaphore_mem>>) src(%arg8 : memref<128x128xf32, #tpu.memory_space<vmem>>) dst(%dma_wait3A_86 : memref<10112x128xf32, #tpu.memory_space<vmem_shared>>)
          tpu.yield
        }) : () -> ()
        %lt3A_69 = arith.constant 79 : i32
        %lt3A_70 = arith.cmpi slt, %add3A_36, %lt3A_69 : i32
        %convert_element_type3A_71 = arith.extui %lt3A_70 : i1 to i32
        %cond3A_72 = arith.constant 0 : i32
        %cond3A_73 = arith.cmpi ne, %convert_element_type3A_71, %cond3A_72 : i32
        scf.if %cond3A_73 {
          %dma_start3A_74 = arith.constant 0 : i32
          %dma_start3A_75 = arith.constant 0 : i32
          %dma_start3A_76 = tpu.memref_slice %arg3[%add3A, %add3A_36, %dma_start3A_74, %dma_start3A_75] : memref<32x79x2x128xi32, #tpu.memory_space<hbm>> -> memref<1x1x2x128xi32, #tpu.memory_space<hbm>>
          %dma_start3A_77 = tpu.memref_squeeze %dma_start3A_76 : memref<1x1x2x128xi32, #tpu.memory_space<hbm>> -> memref<2x128xi32, #tpu.memory_space<hbm>>
          %dma_start3A_78 = arith.constant 0 : i32
          %dma_start3A_79 = arith.constant 0 : i32
          %dma_start3A_80 = tpu.memref_slice %arg3[%add3A, %add3A_36, %dma_start3A_78, %dma_start3A_79] : memref<32x79x2x128xi32, #tpu.memory_space<hbm>> -> memref<1x1x2x128xi32, #tpu.memory_space<hbm>>
          %dma_start3A_81 = tpu.memref_squeeze %dma_start3A_80 : memref<1x1x2x128xi32, #tpu.memory_space<hbm>> -> memref<2x128xi32, #tpu.memory_space<hbm>>
          tpu.enqueue_dma source(%dma_start3A_81 : memref<2x128xi32, #tpu.memory_space<hbm>>) target(%arg6 : memref<2x128xi32, #tpu.memory_space<vmem>>) target_semaphore(%arg13 : memref<!tpu.dma_semaphore, #tpu.memory_space<semaphore_mem>>)
        } else {
        }
      } else {
      }
    }
    %scan3A_22 = arith.constant 40 : i32
    %barrier3A_23 = arith.constant 0 : index
    tpu.barrier barrier_id(%barrier3A_23)
    "tpu.region"() ({
      %run_scoped3A_24 = tpu.sem_alloc : memref<!tpu.dma_semaphore, #tpu.memory_space<semaphore_mem>>
      %dma_start3A_25 = arith.constant 0 : i32
      %dma_start3A_26 = tpu.memref_slice %arg4[%arg0, %mul3A_2, %dma_start3A_25] : memref<2x10112x128xf32, #tpu.memory_space<hbm>> -> memref<1x632x128xf32, #tpu.memory_space<hbm>>
      %dma_start3A_27 = tpu.memref_squeeze %dma_start3A_26 : memref<1x632x128xf32, #tpu.memory_space<hbm>> -> memref<632x128xf32, #tpu.memory_space<hbm>>
      %dma_start3A_28 = arith.constant 0 : i32
      %dma_start3A_29 = tpu.memref_slice %arg9[%mul3A_2, %dma_start3A_28] : memref<10112x128xf32, #tpu.memory_space<vmem_shared>> -> memref<632x128xf32, #tpu.memory_space<vmem_shared>>
      tpu.enqueue_dma source(%dma_start3A_29 : memref<632x128xf32, #tpu.memory_space<vmem_shared>>) target(%dma_start3A_27 : memref<632x128xf32, #tpu.memory_space<hbm>>) target_semaphore(%run_scoped3A_24 : memref<!tpu.dma_semaphore, #tpu.memory_space<semaphore_mem>>)
      %dma_wait3A = arith.constant 0 : i32
      %dma_wait3A_30 = tpu.memref_slice %arg4[%arg0, %mul3A_2, %dma_wait3A] : memref<2x10112x128xf32, #tpu.memory_space<hbm>> -> memref<1x632x128xf32, #tpu.memory_space<hbm>>
      %dma_wait3A_31 = tpu.memref_squeeze %dma_wait3A_30 : memref<1x632x128xf32, #tpu.memory_space<hbm>> -> memref<632x128xf32, #tpu.memory_space<hbm>>
      %dma_wait3A_32 = arith.constant 0 : i32
      %dma_wait3A_33 = tpu.memref_slice %arg9[%mul3A_2, %dma_wait3A_32] : memref<10112x128xf32, #tpu.memory_space<vmem_shared>> -> memref<632x128xf32, #tpu.memory_space<vmem_shared>>
      tpu.wait_dma2 semaphore(%run_scoped3A_24 : memref<!tpu.dma_semaphore, #tpu.memory_space<semaphore_mem>>) src(%dma_wait3A_33 : memref<632x128xf32, #tpu.memory_space<vmem_shared>>) dst(%dma_wait3A_31 : memref<632x128xf32, #tpu.memory_space<hbm>>)
      tpu.yield
    }) : () -> ()
    return
  }
}

module attributes {stable_mosaic.version = 14 : i64} {
  func.func @_k1_body(%arg0: i32, %arg1: memref<1264x128xf32, #tpu.memory_space<vmem>>, %arg2: memref<128x128xf32, #tpu.memory_space<vmem>>, %arg3: memref<1264x16xf32, #tpu.memory_space<vmem>>, %arg4: memref<1264x16xf32, #tpu.memory_space<vmem>>, %arg5: memref<1264x128xf32, #tpu.memory_space<vmem>>, %arg6: memref<1264x128xf32, #tpu.memory_space<vmem>>) attributes {dimension_semantics = [#tpu.dimension_semantics<arbitrary>], iteration_bounds = array<i64: 8>, scalar_prefetch = 0 : i64, scratch_operands = 0 : i64, tpu.core_type = #tpu.core_type<tc>, window_params = [{transform_indices = @transform_0, window_bounds = array<i64: 1264, 128>}, {pipeline_mode = #tpu.pipeline_mode<synchronous>, transform_indices = @transform_1, window_bounds = array<i64: 128, 128>}, {transform_indices = @transform_2, window_bounds = array<i64: 1264, 16>}, {transform_indices = @transform_3, window_bounds = array<i64: 1264, 16>}, {transform_indices = @transform_4, window_bounds = array<i64: 1264, 128>}, {transform_indices = @transform_5, window_bounds = array<i64: 1264, 128>}]} {
    %get3A = arith.constant 0 : index
    %get3A_0 = arith.constant 0 : index
    %get3A_1 = vector.load %arg3[%get3A, %get3A_0] : memref<1264x16xf32, #tpu.memory_space<vmem>>, vector<1264x1xf32>
    %get3A_2 = arith.constant 0 : index
    %get3A_3 = arith.constant 0 : index
    %get3A_4 = vector.load %arg4[%get3A_2, %get3A_3] : memref<1264x16xf32, #tpu.memory_space<vmem>>, vector<1264x1xf32>
    %add3A = arith.addf %get3A_1, %get3A_4 : vector<1264x1xf32>
    %add3A_5 = arith.constant 1.000000e+00 : f32
    %add3A_6 = vector.broadcast %add3A_5 : f32 to vector<1264x1xf32>
    %add3A_7 = arith.addf %add3A, %add3A_6 : vector<1264x1xf32>
    %rsqrt3A = math.rsqrt %add3A_7 : vector<1264x1xf32>
    %broadcast_in_dim3A = vector.shape_cast %rsqrt3A : vector<1264x1xf32> to vector<1264x1xf32>
    %broadcast_in_dim3A_8 = vector.broadcast %broadcast_in_dim3A : vector<1264x1xf32> to vector<1264x128xf32>
    %get3A_9 = arith.constant 0 : index
    %get3A_10 = arith.constant 0 : index
    %get3A_11 = vector.load %arg1[%get3A_9, %get3A_10] : memref<1264x128xf32, #tpu.memory_space<vmem>>, vector<1264x128xf32>
    %get3A_12 = arith.constant 0 : index
    %get3A_13 = arith.constant 0 : index
    %get3A_14 = vector.load %arg2[%get3A_12, %get3A_13] : memref<128x128xf32, #tpu.memory_space<vmem>>, vector<128x128xf32>
    %dot_general3A = arith.constant dense<0.000000e+00> : vector<1264x128xf32>
    %dot_general3A_15 = tpu.matmul %get3A_11, %get3A_14, %dot_general3A {dimension_numbers = #tpu.dot_dimension_numbers<[1], [0], [0], [1], [0, 0, 1, 1], [], []>, transpose_lhs_hint = false} : vector<1264x128xf32>, vector<128x128xf32>, vector<1264x128xf32> -> vector<1264x128xf32>
    %mul3A = arith.mulf %broadcast_in_dim3A_8, %dot_general3A_15 : vector<1264x128xf32>
    %swap3A = arith.constant 0 : index
    %swap3A_16 = arith.constant 0 : index
    %swap3A_17 = vector.load %arg5[%swap3A, %swap3A_16] : memref<1264x128xf32, #tpu.memory_space<vmem>>, vector<1264x128xf32>
    tpu.vector_store %arg5[%swap3A, %swap3A_16], %mul3A {strides = array<i32>} : memref<1264x128xf32, #tpu.memory_space<vmem>>, vector<1264x128xf32>,
    %swap3A_18 = arith.constant 0 : index
    %swap3A_19 = arith.constant 0 : index
    %swap3A_20 = vector.load %arg6[%swap3A_18, %swap3A_19] : memref<1264x128xf32, #tpu.memory_space<vmem>>, vector<1264x128xf32>
    tpu.vector_store %arg6[%swap3A_18, %swap3A_19], %broadcast_in_dim3A_8 {strides = array<i32>} : memref<1264x128xf32, #tpu.memory_space<vmem>>, vector<1264x128xf32>,
    return
  }
  func.func @transform_0(%arg0: i32) -> (i32, i32) {
    %c0_i32 = arith.constant 0 : i32
    %c0_i32_0 = arith.constant 0 : i32
    return %arg0, %c0_i32 : i32, i32
  }
  func.func @transform_1(%arg0: i32) -> (i32, i32) {
    %c0_i32 = arith.constant 0 : i32
    %c0_i32_0 = arith.constant 0 : i32
    %c0_i32_1 = arith.constant 0 : i32
    return %c0_i32, %c0_i32_0 : i32, i32
  }
  func.func @transform_2(%arg0: i32) -> (i32, i32) {
    %c0_i32 = arith.constant 0 : i32
    %c0_i32_0 = arith.constant 0 : i32
    return %arg0, %c0_i32 : i32, i32
  }
  func.func @transform_3(%arg0: i32) -> (i32, i32) {
    %c0_i32 = arith.constant 0 : i32
    %c0_i32_0 = arith.constant 0 : i32
    return %arg0, %c0_i32 : i32, i32
  }
  func.func @transform_4(%arg0: i32) -> (i32, i32) {
    %c0_i32 = arith.constant 0 : i32
    %c0_i32_0 = arith.constant 0 : i32
    return %arg0, %c0_i32 : i32, i32
  }
  func.func @transform_5(%arg0: i32) -> (i32, i32) {
    %c0_i32 = arith.constant 0 : i32
    %c0_i32_0 = arith.constant 0 : i32
    return %arg0, %c0_i32 : i32, i32
  }
}

module attributes {stable_mosaic.version = 14 : i64} {
  func.func @_k2_body(%arg0: i32, %arg1: memref<1264x128xf32, #tpu.memory_space<vmem>>, %arg2: memref<1264x128xf32, #tpu.memory_space<vmem>>, %arg3: memref<1264x128xf32, #tpu.memory_space<vmem>>, %arg4: memref<1264x128xf32, #tpu.memory_space<vmem>>, %arg5: memref<1x128xf32, #tpu.memory_space<vmem>>, %arg6: memref<128x128xf32, #tpu.memory_space<vmem>>, %arg7: memref<1264x128xf32, #tpu.memory_space<vmem>>) attributes {dimension_semantics = [#tpu.dimension_semantics<arbitrary>], iteration_bounds = array<i64: 8>, scalar_prefetch = 0 : i64, scratch_operands = 0 : i64, tpu.core_type = #tpu.core_type<tc>, window_params = [{transform_indices = @transform_0, window_bounds = array<i64: 1264, 128>}, {transform_indices = @transform_1, window_bounds = array<i64: 1264, 128>}, {transform_indices = @transform_2, window_bounds = array<i64: 1264, 128>}, {transform_indices = @transform_3, window_bounds = array<i64: 1264, 128>}, {pipeline_mode = #tpu.pipeline_mode<synchronous>, transform_indices = @transform_4, window_bounds = array<i64: 1, 128>}, {pipeline_mode = #tpu.pipeline_mode<synchronous>, transform_indices = @transform_5, window_bounds = array<i64: 128, 128>}, {transform_indices = @transform_6, window_bounds = array<i64: 1264, 128>}]} {
    %get3A = arith.constant 0 : index
    %get3A_0 = arith.constant 0 : index
    %get3A_1 = vector.load %arg1[%get3A, %get3A_0] : memref<1264x128xf32, #tpu.memory_space<vmem>>, vector<1264x128xf32>
    %get3A_2 = arith.constant 0 : index
    %get3A_3 = arith.constant 0 : index
    %get3A_4 = vector.load %arg2[%get3A_2, %get3A_3] : memref<1264x128xf32, #tpu.memory_space<vmem>>, vector<1264x128xf32>
    %add3A = arith.addf %get3A_1, %get3A_4 : vector<1264x128xf32>
    %get3A_5 = arith.constant 0 : index
    %get3A_6 = arith.constant 0 : index
    %get3A_7 = vector.load %arg3[%get3A_5, %get3A_6] : memref<1264x128xf32, #tpu.memory_space<vmem>>, vector<1264x128xf32>
    %sub3A = arith.subf %add3A, %get3A_7 : vector<1264x128xf32>
    %get3A_8 = arith.constant 0 : index
    %get3A_9 = arith.constant 0 : index
    %get3A_10 = vector.load %arg4[%get3A_8, %get3A_9] : memref<1264x128xf32, #tpu.memory_space<vmem>>, vector<1264x128xf32>
    %mul3A = arith.mulf %sub3A, %get3A_10 : vector<1264x128xf32>
    %get3A_11 = arith.constant 0 : index
    %get3A_12 = arith.constant 0 : index
    %get3A_13 = vector.load %arg5[%get3A_11, %get3A_12] : memref<1x128xf32, #tpu.memory_space<vmem>>, vector<1x128xf32>
    %add3A_14 = vector.broadcast %get3A_13 : vector<1x128xf32> to vector<1264x128xf32>
    %add3A_15 = arith.addf %mul3A, %add3A_14 : vector<1264x128xf32>
    %max3A = arith.constant 0.000000e+00 : f32
    %max3A_16 = vector.broadcast %max3A : f32 to vector<1264x128xf32>
    %max3A_17 = arith.maximumf %add3A_15, %max3A_16 : vector<1264x128xf32>
    %get3A_18 = arith.constant 0 : index
    %get3A_19 = arith.constant 0 : index
    %get3A_20 = vector.load %arg4[%get3A_18, %get3A_19] : memref<1264x128xf32, #tpu.memory_space<vmem>>, vector<1264x128xf32>
    %get3A_21 = arith.constant 0 : index
    %get3A_22 = arith.constant 0 : index
    %get3A_23 = vector.load %arg6[%get3A_21, %get3A_22] : memref<128x128xf32, #tpu.memory_space<vmem>>, vector<128x128xf32>
    %dot_general3A = arith.constant dense<0.000000e+00> : vector<1264x128xf32>
    %dot_general3A_24 = tpu.matmul %max3A_17, %get3A_23, %dot_general3A {dimension_numbers = #tpu.dot_dimension_numbers<[1], [0], [0], [1], [0, 0, 1, 1], [], []>, transpose_lhs_hint = false} : vector<1264x128xf32>, vector<128x128xf32>, vector<1264x128xf32> -> vector<1264x128xf32>
    %mul3A_25 = arith.mulf %get3A_20, %dot_general3A_24 : vector<1264x128xf32>
    %swap3A = arith.constant 0 : index
    %swap3A_26 = arith.constant 0 : index
    %swap3A_27 = vector.load %arg7[%swap3A, %swap3A_26] : memref<1264x128xf32, #tpu.memory_space<vmem>>, vector<1264x128xf32>
    tpu.vector_store %arg7[%swap3A, %swap3A_26], %mul3A_25 {strides = array<i32>} : memref<1264x128xf32, #tpu.memory_space<vmem>>, vector<1264x128xf32>,
    return
  }
  func.func @transform_0(%arg0: i32) -> (i32, i32) {
    %c0_i32 = arith.constant 0 : i32
    %c0_i32_0 = arith.constant 0 : i32
    return %arg0, %c0_i32 : i32, i32
  }
  func.func @transform_1(%arg0: i32) -> (i32, i32) {
    %c0_i32 = arith.constant 0 : i32
    %c0_i32_0 = arith.constant 0 : i32
    return %arg0, %c0_i32 : i32, i32
  }
  func.func @transform_2(%arg0: i32) -> (i32, i32) {
    %c0_i32 = arith.constant 0 : i32
    %c0_i32_0 = arith.constant 0 : i32
    return %arg0, %c0_i32 : i32, i32
  }
  func.func @transform_3(%arg0: i32) -> (i32, i32) {
    %c0_i32 = arith.constant 0 : i32
    %c0_i32_0 = arith.constant 0 : i32
    return %arg0, %c0_i32 : i32, i32
  }
  func.func @transform_4(%arg0: i32) -> (i32, i32) {
    %c0_i32 = arith.constant 0 : i32
    %c0_i32_0 = arith.constant 0 : i32
    %c0_i32_1 = arith.constant 0 : i32
    return %c0_i32, %c0_i32_0 : i32, i32
  }
  func.func @transform_5(%arg0: i32) -> (i32, i32) {
    %c0_i32 = arith.constant 0 : i32
    %c0_i32_0 = arith.constant 0 : i32
    %c0_i32_1 = arith.constant 0 : i32
    return %c0_i32, %c0_i32_0 : i32, i32
  }
  func.func @transform_6(%arg0: i32) -> (i32, i32) {
    %c0_i32 = arith.constant 0 : i32
    %c0_i32_0 = arith.constant 0 : i32
    return %arg0, %c0_i32 : i32, i32
  }
}

module attributes {stable_mosaic.version = 14 : i64} {
  func.func @_k4_body(%arg0: i32, %arg1: memref<1264x128xf32, #tpu.memory_space<vmem>>, %arg2: memref<1264x128xf32, #tpu.memory_space<vmem>>, %arg3: memref<1264x128xf32, #tpu.memory_space<vmem>>, %arg4: memref<1264x128xf32, #tpu.memory_space<vmem>>, %arg5: memref<1x128xf32, #tpu.memory_space<vmem>>, %arg6: memref<1264x128xf32, #tpu.memory_space<vmem>>) attributes {dimension_semantics = [#tpu.dimension_semantics<arbitrary>], iteration_bounds = array<i64: 8>, scalar_prefetch = 0 : i64, scratch_operands = 0 : i64, tpu.core_type = #tpu.core_type<tc>, window_params = [{transform_indices = @transform_0, window_bounds = array<i64: 1264, 128>}, {transform_indices = @transform_1, window_bounds = array<i64: 1264, 128>}, {transform_indices = @transform_2, window_bounds = array<i64: 1264, 128>}, {transform_indices = @transform_3, window_bounds = array<i64: 1264, 128>}, {pipeline_mode = #tpu.pipeline_mode<synchronous>, transform_indices = @transform_4, window_bounds = array<i64: 1, 128>}, {transform_indices = @transform_5, window_bounds = array<i64: 1264, 128>}]} {
    %get3A = arith.constant 0 : index
    %get3A_0 = arith.constant 0 : index
    %get3A_1 = vector.load %arg1[%get3A, %get3A_0] : memref<1264x128xf32, #tpu.memory_space<vmem>>, vector<1264x128xf32>
    %get3A_2 = arith.constant 0 : index
    %get3A_3 = arith.constant 0 : index
    %get3A_4 = vector.load %arg2[%get3A_2, %get3A_3] : memref<1264x128xf32, #tpu.memory_space<vmem>>, vector<1264x128xf32>
    %add3A = arith.addf %get3A_1, %get3A_4 : vector<1264x128xf32>
    %get3A_5 = arith.constant 0 : index
    %get3A_6 = arith.constant 0 : index
    %get3A_7 = vector.load %arg3[%get3A_5, %get3A_6] : memref<1264x128xf32, #tpu.memory_space<vmem>>, vector<1264x128xf32>
    %sub3A = arith.subf %add3A, %get3A_7 : vector<1264x128xf32>
    %get3A_8 = arith.constant 0 : index
    %get3A_9 = arith.constant 0 : index
    %get3A_10 = vector.load %arg4[%get3A_8, %get3A_9] : memref<1264x128xf32, #tpu.memory_space<vmem>>, vector<1264x128xf32>
    %mul3A = arith.mulf %sub3A, %get3A_10 : vector<1264x128xf32>
    %get3A_11 = arith.constant 0 : index
    %get3A_12 = arith.constant 0 : index
    %get3A_13 = vector.load %arg5[%get3A_11, %get3A_12] : memref<1x128xf32, #tpu.memory_space<vmem>>, vector<1x128xf32>
    %add3A_14 = vector.broadcast %get3A_13 : vector<1x128xf32> to vector<1264x128xf32>
    %add3A_15 = arith.addf %mul3A, %add3A_14 : vector<1264x128xf32>
    %swap3A = arith.constant 0 : index
    %swap3A_16 = arith.constant 0 : index
    %swap3A_17 = vector.load %arg6[%swap3A, %swap3A_16] : memref<1264x128xf32, #tpu.memory_space<vmem>>, vector<1264x128xf32>
    tpu.vector_store %arg6[%swap3A, %swap3A_16], %add3A_15 {strides = array<i32>} : memref<1264x128xf32, #tpu.memory_space<vmem>>, vector<1264x128xf32>,
    return
  }
  func.func @transform_0(%arg0: i32) -> (i32, i32) {
    %c0_i32 = arith.constant 0 : i32
    %c0_i32_0 = arith.constant 0 : i32
    return %arg0, %c0_i32 : i32, i32
  }
  func.func @transform_1(%arg0: i32) -> (i32, i32) {
    %c0_i32 = arith.constant 0 : i32
    %c0_i32_0 = arith.constant 0 : i32
    return %arg0, %c0_i32 : i32, i32
  }
  func.func @transform_2(%arg0: i32) -> (i32, i32) {
    %c0_i32 = arith.constant 0 : i32
    %c0_i32_0 = arith.constant 0 : i32
    return %arg0, %c0_i32 : i32, i32
  }
  func.func @transform_3(%arg0: i32) -> (i32, i32) {
    %c0_i32 = arith.constant 0 : i32
    %c0_i32_0 = arith.constant 0 : i32
    return %arg0, %c0_i32 : i32, i32
  }
  func.func @transform_4(%arg0: i32) -> (i32, i32) {
    %c0_i32 = arith.constant 0 : i32
    %c0_i32_0 = arith.constant 0 : i32
    %c0_i32_1 = arith.constant 0 : i32
    return %c0_i32, %c0_i32_0 : i32, i32
  }
  func.func @transform_5(%arg0: i32) -> (i32, i32) {
    %c0_i32 = arith.constant 0 : i32
    %c0_i32_0 = arith.constant 0 : i32
    return %arg0, %c0_i32 : i32, i32
  }
}

</mosaic_0001>

<sc_bundles>
// kernel: kernel.10.cloned.1.call-start
scs
__scs_entry_jumppad:
0x0: {  	(pc) =	sbr.rel $0x88, $3  }
0x1: {  	(tag) =	ssettag $0x0;
	lr =	simm.s32 $0x1  }
0x2: {  	[smem:$0x3F99] =	sst lr;
	_ =	strace $0xD0000000  }
0x3: {  	_ = 	snop  }
0x4: {  	_ = 	snop  }
0x5: {  	_ = 	snop  }
0x6: {  	_ = 	snop  }
0x7: {  	_ = 	snop  }
__scs_overlays_trampoline_lowered:
0x8: {  	[smem:$0x3FA8] =	sst s0  }
0x9: {  	[smem:$0x3FA9] =	sst s1  }
0xa: {  	[smem:$0x3FAA] =	sst s2  }
0xb: {  	[smem:$0x3FAB] =	sst s3  }
0xc: {  	[smem:$0x3FAC] =	sst s4  }
0xd: {  	[smem:$0x3FAD] =	sst s5  }
0xe: {  	[smem:$0x3FAE] =	sst s6  }
0xf: {  	[smem:$0x3FAF] =	sst s7  }
0x10: {  	[smem:$0x3FB0] =	sst s8  }
0x11: {  	[smem:$0x3FB1] =	sst s9;
	s0 =	simm.s32 @!p0 $0x0  }
0x12: {  	s1 =	sld [smem:$0x3F97];
	s0 =	simm.s32 @p0 $0x1  }
0x13: {  	[smem:$0x3FB2] =	sst s0;
	s0 =	simm.s32 @!p1 $0x0  }
0x14: {  	s2 =	sld [smem:$0x3F96];
	s0 =	simm.s32 @p1 $0x1  }
0x15: {  	[smem:$0x3FB3] =	sst s0;
	s0 =	simm.s32 @!p2 $0x0  }
0x16: {  	s3 =	sld [smem:$0x3FDB];
	s0 =	simm.s32 @p2 $0x1  }
0x17: {  	s4 =	simm.s32 $0x1BF5;
	[smem:$0x3FB5] =	sst s0  }
0x18: {  	s0 =	sld [smem:$0x3F98];
	_ =	swait.ge [sflag:s4], $0x0  }
0x19: {  	s7 =	sld [smem:$0x3F99]  }
0x1a: {  	s8 =	sadd.s32 $0xFFFFE003, lr  }
0x1b: {  	s9 =	sadd.s32 $0xFFFFFEF7, lr;
	s5 =	simm.s32 $0xFFFFFFFF;
	p2 =	slt.u32 s8, $0xFFFFF086  }
0x1c: {  	p1 =	slt.u32 s9, $0xF7A;
	s5 =	simm.s32 @!p2 $0x0  }
0x1d: {  	s5 =	simm.s32 @p1 $0x1;
	p0 =	seq.s32 s7, s2  }
0x1e: {  	s7 =	smul.u32 @!p0 $0xF7A, s2;
	p2 =	seq.s32 @!p0 s5, $0x0  }
0x1f: {  	s9 =	smul.u32 $0xF7A, s1;
	s8 =	simm.s32 @!p0 $0x1BF5;
	p2 =	por !p2, p0  }
0x20: {  	[sflag:s8] =	ssyncset.s32 @!p0 $0xFFFFF086;
	s6 =	sadd.s32 @!p0 s3, s7;
	s7 =	simm.s32 @!p0 $0x108  }
0x21: {  	s3 =	sadd.s32 s3, s9;
	s6 =	sadd.s32 @!p0 $0x88, s6;
	s7 =	simm.s32 @p2 $0x1082  }
0x22: {  	[simem:s7], [sflag:s8] =	dma.local @!p0 [hbm:s6], $0xF7A  }
0x23: {  	s9 =	sor.u32 $0xD0000000, s2;
	s6 =	simm.s32 $0x108;
	_ =	swait.ge @!p0 [sflag:s8], $0x0  }
0x24: {  	s3 =	sadd.s32 $0x88, s3;
	s6 =	simm.s32 @!p1 $0x1082;
	[sflag:s4] =	ssyncset.s32 $0xFFFFF086  }
0x25: {  	[simem:s6], [sflag:s4] =	dma.local [hbm:s3], $0xF7A  }
0x26: {  	[smem:$0x3F99] =	sst s1;
	(tag) =	ssettag s2;
	_ =	strace s9  }
0x27: {  	s1 =	sld [smem:$0x3FA9]  }
0x28: {  	s2 =	sld [smem:$0x3FAA]  }
0x29: {  	s4 =	sld [smem:$0x3FAC]  }
0x2a: {  	p0 =	seq.s32 s5, $0x0;
	s5 =	sld [smem:$0x3FAD]  }
0x2b: {  	s6 =	sld [smem:$0x3FAE]  }
0x2c: {  	s7 =	sld [smem:$0x3FAF]  }
0x2d: {  	s3 =	simm.s32 $0x108;
	s8 =	sld [smem:$0x3FB0]  }
0x2e: {  	s3 =	simm.s32 @!p0 $0x1082;
	s9 =	sld [smem:$0x3FB1]  }
0x2f: {  	lr =	sadd.s32 s0, s3;
	s0 =	sld [smem:$0x3FA8]  }
0x30: {  	s3 =	sld [smem:$0x3FAB]  }
0x31: {  	[smem:$0x3FB4] =	sst s10  }
0x32: {  	s10 =	sld [smem:$0x3FB2];
	_ =	sdelay $0x3  }
0x33: {  	p0 =	seq.s32 s10, $0x1;
	s10 =	sld [smem:$0x3FB4];
	_ =	sdelay $0x3  }
0x34: {  	[smem:$0x3FB4] =	sst s10  }
0x35: {  	s10 =	sld [smem:$0x3FB3];
	_ =	sdelay $0x3  }
0x36: {  	p1 =	seq.s32 s10, $0x1;
	s10 =	sld [smem:$0x3FB4];
	_ =	sdelay $0x3  }
0x37: {  	[smem:$0x3FB4] =	sst s10  }
0x38: {  	s10 =	sld [smem:$0x3FB5]  }
0x39: {  	_ = 	snop;
	(pc) =	sbr.ind lr, $3  }
0x3a: {  	_ = 	snop  }
0x3b: {  	_ = 	snop  }
0x3c: {  	p2 =	seq.s32 s10, $0x1;
	s10 =	sld [smem:$0x3FB4]  }
0x3d: {  	_ =	shalt  }
0x3e: {  	_ =	shalt  }
0x3f: {  	_ =	shalt  }
0x40: {  	_ =	shalt  }
0x41: {  	_ =	shalt  }
0x42: {  	_ =	shalt  }
0x43: {  	_ =	shalt  }
0x44: {  	_ =	shalt  }
0x45: {  	_ =	shalt  }
0x46: {  	_ =	shalt  }
0x47: {  	_ =	shalt  }
0x48: {  	_ =	shalt  }
0x49: {  	_ =	shalt  }
0x4a: {  	_ =	shalt  }
0x4b: {  	_ =	shalt  }
0x4c: {  	_ =	shalt  }
0x4d: {  	_ =	shalt  }
0x4e: {  	_ =	shalt  }
0x4f: {  	_ =	shalt  }
0x50: {  	_ =	shalt  }
0x51: {  	_ =	shalt  }
0x52: {  	_ =	shalt  }
0x53: {  	_ =	shalt  }
0x54: {  	_ =	shalt  }
0x55: {  	_ =	shalt  }
0x56: {  	_ =	shalt  }
0x57: {  	_ =	shalt  }
0x58: {  	_ =	shalt  }
0x59: {  	_ =	shalt  }
0x5a: {  	_ =	shalt  }
0x5b: {  	_ =	shalt  }
0x5c: {  	_ =	shalt  }
0x5d: {  	_ =	shalt  }
0x5e: {  	_ =	shalt  }
0x5f: {  	_ =	shalt  }
0x60: {  	_ =	shalt  }
0x61: {  	_ =	shalt  }
0x62: {  	_ =	shalt  }
0x63: {  	_ =	shalt  }
0x64: {  	_ =	shalt  }
0x65: {  	_ =	shalt  }
0x66: {  	_ =	shalt  }
0x67: {  	_ =	shalt  }
0x68: {  	_ =	shalt  }
0x69: {  	_ =	shalt  }
0x6a: {  	_ =	shalt  }
0x6b: {  	_ =	shalt  }
0x6c: {  	_ =	shalt  }
0x6d: {  	_ =	shalt  }
0x6e: {  	_ =	shalt  }
0x6f: {  	_ =	shalt  }
0x70: {  	_ =	shalt  }
0x71: {  	_ =	shalt  }
0x72: {  	_ =	shalt  }
0x73: {  	_ =	shalt  }
0x74: {  	_ =	shalt  }
0x75: {  	_ =	shalt  }
0x76: {  	_ =	shalt  }
0x77: {  	_ =	shalt  }
0x78: {  	_ =	shalt  }
0x79: {  	_ =	shalt  }
0x7a: {  	_ =	shalt  }
0x7b: {  	_ =	shalt  }
0x7c: {  	_ =	shalt  }
0x7d: {  	_ =	shalt  }
0x7e: {  	_ =	shalt  }
0x7f: {  	_ =	shalt  }
0x80: {  	_ =	shalt  }
0x81: {  	_ =	shalt  }
0x82: {  	_ =	shalt  }
0x83: {  	_ =	shalt  }
0x84: {  	_ =	shalt  }
0x85: {  	_ =	shalt  }
0x86: {  	_ =	shalt  }
0x87: {  	_ =	shalt  }
.Lfunc_end0:
.L_simem_size_0:
called_computation_lowered:
.L_overlay_start_0:
0x88: {  	s2 =	sld [smem:$0x3FD9]  }
0x89: {  	s3 =	sld [smem:$0x3FFE];
	_ =	sdelay $0x1  }
0x8a: {  	s1 =	srdreg.scid  }
0x8b: {  	s0 =	sand.u32 $0x1, s1  }
0x8c: {  	s17 =	sshll.u32 s0, $0xA;
	s2 =	sadd.s32 s3, s2  }
0x8d: {  	s2 =	sadd.s32 s2, s17  }
0x8e: {  	[smem:$0x3FC0] =	sst s2  }
0x8f: {  	_ = 	snop  }
0x90: {  	s2 =	sld [smem:$0x3FD0];
	(tm) =	ssettm $0x1  }
0x91: {  	s18 =	sld [smem:$0x3FFB];
	_ =	sdelay $0x3  }
0x92: {  	_ =	strace s18  }
0x93: {  	s3 =	sld [smem:$0x3FFC];
	_ =	sdelay $0x3  }
0x94: {  	_ =	strace s3  }
0x95: {  	s3 =	sld [smem:$0x3FFD];
	_ =	sdelay $0x3  }
0x96: {  	_ =	strace s3  }
0x97: {  	_ =	strace $0x8FFFFFFF  }
0x98: {  	s19 =	sld [smem:$0x3FDB];
	_ =	sdelay $0x1  }
0x99: {  	s4 =	simm.s32 $_scs_section_size  }
0x9a: {  	s5 =	simm.s32 $_size__tile_overlayer_lowered;
	s6 =	simm.s32 $_tile_overlayer_lowered  }
0x9b: {  	s22 =	simm.s32 $0x1BFF;
	s21 =	sshll.u32 s6, $0x1;
	s3 =	sadd.s32 s4, s19  }
0x9c: {  	s7 =	simm.s32 $0x0;
	s20 =	sshll.u32 s5, $0x1;
	s5 =	sadd.s32 s21, s3  }
0x9d: {  	[timem:s7], [sflag:s22] =	dma.local [hbm:s5], s20  }
0x9e: {  	_ =	swait.ge [sflag:s22], s20  }
0x9f: {  	s4 =	ssub.s32 $0x0, s20;
	[sflag:s22] =	ssyncset.done $0x0  }
0xa0: {  	[sflag:s22] =	ssyncadd.s32 s4;
	_ =	sdelay $0x1  }
0xa1: {  	s23 =	simm.s32 $0x1B8B  }
0xa2: {  	_ =	swait.ge [sflag:s23], $0x1  }
0xa3: {  	[sflag:s23] =	ssyncset.done $0x0  }
0xa4: {  	s25 =	simm.s32 $0x1B8E;
	s24 =	sld [smem:$0x3FFE];
	[sflag:s23] =	ssyncadd.s32 $0xFFFFFFFF  }
0xa5: {  	s26 =	simm.s32 $execute0_lowered;
	[smem:$0x3FD2] =	sst s25  }
0xa6: {  	s5 =	sshll.u32 s26, $0x1;
	_ =	strace $0x80000046;
	[dreg:$0x1] =	wrdreg $0xFFFFFFFF  }
0xa7: {  	s28 =	simm.s32 $_size_execute0_lowered;
	s3 =	sadd.s32 s3, s5;
	[dreg:$0x0] =	wrdreg $0x0  }
0xa8: {  	s5 =	sshll.u32 s28, $0x1;
	[dreg:$0x2] =	wrdreg s3  }
0xa9: {  	[dreg:$0x3] =	wrdreg s5  }
0xaa: {  	[dreg:$0x4] =	wrdreg $0xC0  }
0xab: {  	_ =	task [dreg:s7], $0x5FFFF  }
0xac: {  	[dreg:$0x1] =	wrdreg $0xFFFFFFFF  }
0xad: {  	[dreg:$0x0] =	wrdreg $0x60  }
0xae: {  	[dreg:$0x2] =	wrdreg s24  }
0xaf: {  	[dreg:$0x3] =	wrdreg s2  }
0xb0: {  	[dreg:$0x4] =	wrdreg $0x68000  }
0xb1: {  	[dreg:$0x5] =	wrdreg $0x9  }
0xb2: {  	_ =	task.clear_ibuf [dreg:s7], $0x6FFFF;
	_ =	strace $0x90000046  }
0xb3: {  	s29 =	simm.s32 $0x9;
	_ =	strace $0x80000048  }
0xb4: {  	_ =	swait.ge [sflag:s29], $0x1  }
0xb5: {  	[sflag:s29] =	ssyncadd.s32 $0xFFFFFFFF  }
0xb6: {  	_ =	strace $0x90000048  }
0xb7: {  	_ =	sfence  }
0xb8: {  	s30 =	sld [smem:$0x0];
	_ =	sdelay $0x2  }
0xb9: {  	s31 =	sshll.u32 s1, $0xD;
	s1 =	sshrl.u32 s1, $0x2  }
0xba: {  	s3 =	sand.u32 $0x4000, s31;
	s1 =	sadd.s32 s1, s30  }
0xbb: {  	s0 =	sor.u32 s3, s0;
	s1 =	sshll.u32 s1, $0x11  }
0xbc: {  	s0 =	sor.u32 s1, s0  }
0xbd: {  	s0 =	sadd.s32 $0x8F2B, s0  }
0xbe: {  	[sflag:s0] =	ssyncadd.remote.s32 $0x1  }
0xbf: {  	_ =	sfence.sel $0xFFFF  }
0xc0: {  	[dreg:$0x0] =	wrdreg $0xFFFFFFFF;
	(pc) =	sbr.abs _section_cstart, $3  }
0xc1: {  	[dreg:$0x1] =	wrdreg $0xFFFFFFFF  }
0xc2: {  	_ =	task.clear_ibuf [dreg:s7], $0x2FFFF;
	_ =	strace $0x9FFFFFFF  }
0xc3: {  	(tm) =	ssettm $0x7FFFFFFF  }
tec
execute0_lowered:
.L_overlay_start_1:
0x0: {  	(tag) =	ssettag $0x1  }
0x1: {  	s7 =	rddreg [dreg:$0x0]  }
0x2: {  	s0 =	srdreg.scid;
	s2 =	rddreg [dreg:$0x1]  }
0x3: {  	s3 =	rddreg [dreg:$0x2];
	s4 =	simm.s32 $0x0;
	s6 =	sand.u32 $0x1, s0  }
0x4: {  	s13 =	simm.s32 $0x80;
	s0 =	stileid.u32;
	s8 =	smul.u32 $0x13C000, s6  }
0x5: {  	s14 =	simm.s32 $0x0;
	[smem:$0x7FF] =	sst s4;
	s9 =	smul.u32 $0x13C00, s0  }
0x6: {  	s1 =	sshll.u32 s6, $0x4;
	s30 =	smul.u32 $0x4F000, s0;
	s6 =	ssub.s32 $0x2, s6  }
0x7: {  	s11 =	sshll.u32 s0, $0x6;
	s1 =	sor.u32 s0, s1;
	s31 =	sshrl.u32 s6, $0x1  }
0x8: {  	s11 =	sor.u32 $0x1C01, s11;
	s5 =	smul.u32 $0x500, s1;
	s1 =	rddreg [dreg:$0x3]  }
0x9: {  	_ =	strace $0x80000047;
	s8 =	sadd.s32 s9, s8;
	s9 =	sshrl.u32 s30, $0x2  }
0xa: {  	s8 =	sshrl.u32 s8, $0x3;
	s12 =	sadd.s32 s9, s3;
	s9 =	simm.s32 $0x1  }
0xb: {  	s10 =	sadd.s32 s5, s7;
	s5 =	sadd.s32 $0xE600, s7;
	s7 =	sadd.s32 s8, s7  }
0xc: {  	s8 =	ssub.s32 s6, s31;
	s12 =	sshrl.u32 s12, $0x3;
	s6 =	sadd.s32 $0x4600, s10  }
0xd: {  	s7 =	sadd.s32 $0xEE00, s7;
	s8 =	smax.u32 s8, $0x1;
	s10 =	simm.s32 $0x2800  }
.LBB2_1:
0xe: {  	[tilespmem:s4], [sflag:$0x1] =	stream.linear.gather [hbm4b:s6+s4], $0x2780, $0x38;
	[tilespmem:$0x8F80] =	vst v63  }
0xf: {  	_ =	swait.ge [sflag:s9], $0x2780  }
0x10: {  	[sflag:s9] =	ssyncset.done $0x0  }
0x11: {  	[sflag:s9] =	ssyncadd.s32 $0xFFFFD880  }
0x12: {  	[tilespmem:s10], [sflag:$0x1] =	stream.linear.gather [hbm4b:s5+s4], $0x4000, $0x38;
	[tilespmem:$0x8F80] =	vst v63  }
0x13: {  	_ =	swait.ge [sflag:s9], $0x4000  }
0x14: {  	[sflag:s9] =	ssyncset.done $0x0  }
0x15: {  	[sflag:s9] =	ssyncadd.s32 $0xFFFFC000  }
0x16: {  	[spmem:s12], [sflag:s11] =	dma.local [hbm:s2], $0x2780  }
0x17: {  	_ =	swait.ge [sflag:s9], $0x2780  }
0x18: {  	[sflag:s9] =	ssyncset.done $0x0  }
0x19: {  	[sflag:s9] =	ssyncadd.s32 $0xFFFFD880  }
0x1a: {  	s15 =	simm.s32 $0x0;
	[bflag:$0x0] =	sbarrier.arrive $0xFFFF  }
0x1b: {  	[spmem:s3] =	stream.indirect.scatter.add.f32 [tilespmem:s10], [sflag:$0x1], $0x10, s15, s13, $0xb8;
	[tilespmem:$0x8F80] =	vst v63  }
0x1c: {  	_ =	swait.ge [sflag:s9], $0x800  }
0x1d: {  	s15 =	simm.s32 $0x200;
	[sflag:s9] =	ssyncset.done $0x0  }
.LBB2_2:
0x1e: {  	s16 =	sshra.s32 s15, $0x2;
	[sflag:s9] =	ssyncadd.s32 $0xFFFFF800;
	p0 =	sne.s32 s15, $0x9C00  }
0x1f: {  	[spmem:s3] =	stream.indirect.scatter.add.f32 [tilespmem:s10], [sflag:$0x1], $0x10, s16, s13, $0xb8;
	[tilespmem:$0x8F80] =	vst v63  }
.Ltmp0:
0x20: {  	_ = 	snop;
	(pc) =	sbr.rel @p0 .LBB2_2-.Ltmp0, $4  }
0x21: {  	_ = 	snop  }
0x22: {  	s15 =	sadd.s32 $0x200, s15  }
0x23: {  	_ =	swait.ge [sflag:s9], $0x800  }
0x24: {  	[sflag:s9] =	ssyncset.done $0x0  }
0x25: {  	s14 =	sadd.s32 $0x1, s14  }
0x26: {  	[sflag:s9] =	ssyncadd.s32 $0xFFFFF800;
	p0 =	sne.s32 s14, s8  }
.Ltmp1:
0x27: {  	[bflag:$0x0] =	sbarrier.arrive $0xFFFF;
	(pc) =	sbr.rel @p0 .LBB2_1-.Ltmp1, $4  }
0x28: {  	[hbm:s7], [sflag:s11] =	dma.local [spmem:s12], $0x2780  }
0x29: {  	_ =	swait.ge [sflag:s9], $0x2780  }
0x2a: {  	[sflag:s9] =	ssyncset.done $0x0  }
0x2b: {  	[sflag:s9] =	ssyncadd.s32 $0xFFFFD880  }
0x2c: {  	_ =	sfence.sel $0x180000  }
0x2d: {  	[bflag:$0x0] =	sbarrier.arrive $0xFFFF  }
0x2e: {  	p0 =	sne.s32 s0, $0x0;
	_ =	strace $0x90000047  }
0x2f: {  	s0 =	sadd.s32 @!p0 $0x100000, s1;
	[bflag:$0x2] =	sbarrier.arrive $0xFFFF  }
0x30: {  	[sflag:s0] =	ssyncadd.tile.s32 @!p0 $0x1;
	_ =	shalt  }
.Lfunc_end2:
_tile_overlayer_lowered:
.L_overlay_start_2:
0x31: {  	(tag) =	ssettag $0x2  }
0x32: {  	s0 =	rddreg [dreg:$0x0];
	s2 =	stileid.u32  }
0x33: {  	s1 =	rddreg [dreg:$0x1];
	p0 =	sne.s32 s2, $0x0  }
0x34: {  	s3 =	rddreg [dreg:$0x2];
	[bflag:$0x3] =	sbarrier.arrive $0xFFFF;
	s2 =	simm.s32 @!p0 $0x1C01  }
0x35: {  	[timem:s3], [sflag:s2] =	dma.local @!p0 [hbm:s0], s1  }
0x36: {  	s0 =	simm.s32 @!p0 $0x1  }
0x37: {  	_ =	swait.ge @!p0 [sflag:s0], s1  }
0x38: {  	s1 =	ssub.s32 @!p0 $0x0, s1;
	[sflag:s0] =	ssyncset.done @!p0 $0x0  }
0x39: {  	[sflag:s0] =	ssyncadd.s32 @!p0 s1  }
0x3a: {  	[bflag:$0x3] =	sbarrier.arrive $0xFFFF  }
0x3b: {  	_ =	shalt  }

// kernel: kernel.13.cloned.1.call-start
scs
__scs_entry_jumppad:
0x0: {  	(pc) =	sbr.rel $0x88, $3  }
0x1: {  	(tag) =	ssettag $0x0;
	lr =	simm.s32 $0x1  }
0x2: {  	[smem:$0x3F99] =	sst lr;
	_ =	strace $0xD0000000  }
0x3: {  	_ = 	snop  }
0x4: {  	_ = 	snop  }
0x5: {  	_ = 	snop  }
0x6: {  	_ = 	snop  }
0x7: {  	_ = 	snop  }
__scs_overlays_trampoline_lowered:
0x8: {  	[smem:$0x3FA8] =	sst s0  }
0x9: {  	[smem:$0x3FA9] =	sst s1  }
0xa: {  	[smem:$0x3FAA] =	sst s2  }
0xb: {  	[smem:$0x3FAB] =	sst s3  }
0xc: {  	[smem:$0x3FAC] =	sst s4  }
0xd: {  	[smem:$0x3FAD] =	sst s5  }
0xe: {  	[smem:$0x3FAE] =	sst s6  }
0xf: {  	[smem:$0x3FAF] =	sst s7  }
0x10: {  	[smem:$0x3FB0] =	sst s8  }
0x11: {  	[smem:$0x3FB1] =	sst s9;
	s0 =	simm.s32 @!p0 $0x0  }
0x12: {  	s1 =	sld [smem:$0x3F97];
	s0 =	simm.s32 @p0 $0x1  }
0x13: {  	[smem:$0x3FB2] =	sst s0;
	s0 =	simm.s32 @!p1 $0x0  }
0x14: {  	s2 =	sld [smem:$0x3F96];
	s0 =	simm.s32 @p1 $0x1  }
0x15: {  	[smem:$0x3FB3] =	sst s0;
	s0 =	simm.s32 @!p2 $0x0  }
0x16: {  	s3 =	sld [smem:$0x3FDB];
	s0 =	simm.s32 @p2 $0x1  }
0x17: {  	s4 =	simm.s32 $0x1BF5;
	[smem:$0x3FB5] =	sst s0  }
0x18: {  	s0 =	sld [smem:$0x3F98];
	_ =	swait.ge [sflag:s4], $0x0  }
0x19: {  	s7 =	sld [smem:$0x3F99]  }
0x1a: {  	s8 =	sadd.s32 $0xFFFFE003, lr  }
0x1b: {  	s9 =	sadd.s32 $0xFFFFFEF7, lr;
	s5 =	simm.s32 $0xFFFFFFFF;
	p2 =	slt.u32 s8, $0xFFFFF086  }
0x1c: {  	p1 =	slt.u32 s9, $0xF7A;
	s5 =	simm.s32 @!p2 $0x0  }
0x1d: {  	s5 =	simm.s32 @p1 $0x1;
	p0 =	seq.s32 s7, s2  }
0x1e: {  	s7 =	smul.u32 @!p0 $0xF7A, s2;
	p2 =	seq.s32 @!p0 s5, $0x0  }
0x1f: {  	s9 =	smul.u32 $0xF7A, s1;
	s8 =	simm.s32 @!p0 $0x1BF5;
	p2 =	por !p2, p0  }
0x20: {  	[sflag:s8] =	ssyncset.s32 @!p0 $0xFFFFF086;
	s6 =	sadd.s32 @!p0 s3, s7;
	s7 =	simm.s32 @!p0 $0x108  }
0x21: {  	s3 =	sadd.s32 s3, s9;
	s6 =	sadd.s32 @!p0 $0x88, s6;
	s7 =	simm.s32 @p2 $0x1082  }
0x22: {  	[simem:s7], [sflag:s8] =	dma.local @!p0 [hbm:s6], $0xF7A  }
0x23: {  	s9 =	sor.u32 $0xD0000000, s2;
	s6 =	simm.s32 $0x108;
	_ =	swait.ge @!p0 [sflag:s8], $0x0  }
0x24: {  	s3 =	sadd.s32 $0x88, s3;
	s6 =	simm.s32 @!p1 $0x1082;
	[sflag:s4] =	ssyncset.s32 $0xFFFFF086  }
0x25: {  	[simem:s6], [sflag:s4] =	dma.local [hbm:s3], $0xF7A  }
0x26: {  	[smem:$0x3F99] =	sst s1;
	(tag) =	ssettag s2;
	_ =	strace s9  }
0x27: {  	s1 =	sld [smem:$0x3FA9]  }
0x28: {  	s2 =	sld [smem:$0x3FAA]  }
0x29: {  	s4 =	sld [smem:$0x3FAC]  }
0x2a: {  	p0 =	seq.s32 s5, $0x0;
	s5 =	sld [smem:$0x3FAD]  }
0x2b: {  	s6 =	sld [smem:$0x3FAE]  }
0x2c: {  	s7 =	sld [smem:$0x3FAF]  }
0x2d: {  	s3 =	simm.s32 $0x108;
	s8 =	sld [smem:$0x3FB0]  }
0x2e: {  	s3 =	simm.s32 @!p0 $0x1082;
	s9 =	sld [smem:$0x3FB1]  }
0x2f: {  	lr =	sadd.s32 s0, s3;
	s0 =	sld [smem:$0x3FA8]  }
0x30: {  	s3 =	sld [smem:$0x3FAB]  }
0x31: {  	[smem:$0x3FB4] =	sst s10  }
0x32: {  	s10 =	sld [smem:$0x3FB2];
	_ =	sdelay $0x3  }
0x33: {  	p0 =	seq.s32 s10, $0x1;
	s10 =	sld [smem:$0x3FB4];
	_ =	sdelay $0x3  }
0x34: {  	[smem:$0x3FB4] =	sst s10  }
0x35: {  	s10 =	sld [smem:$0x3FB3];
	_ =	sdelay $0x3  }
0x36: {  	p1 =	seq.s32 s10, $0x1;
	s10 =	sld [smem:$0x3FB4];
	_ =	sdelay $0x3  }
0x37: {  	[smem:$0x3FB4] =	sst s10  }
0x38: {  	s10 =	sld [smem:$0x3FB5]  }
0x39: {  	_ = 	snop;
	(pc) =	sbr.ind lr, $3  }
0x3a: {  	_ = 	snop  }
0x3b: {  	_ = 	snop  }
0x3c: {  	p2 =	seq.s32 s10, $0x1;
	s10 =	sld [smem:$0x3FB4]  }
0x3d: {  	_ =	shalt  }
0x3e: {  	_ =	shalt  }
0x3f: {  	_ =	shalt  }
0x40: {  	_ =	shalt  }
0x41: {  	_ =	shalt  }
0x42: {  	_ =	shalt  }
0x43: {  	_ =	shalt  }
0x44: {  	_ =	shalt  }
0x45: {  	_ =	shalt  }
0x46: {  	_ =	shalt  }
0x47: {  	_ =	shalt  }
0x48: {  	_ =	shalt  }
0x49: {  	_ =	shalt  }
0x4a: {  	_ =	shalt  }
0x4b: {  	_ =	shalt  }
0x4c: {  	_ =	shalt  }
0x4d: {  	_ =	shalt  }
0x4e: {  	_ =	shalt  }
0x4f: {  	_ =	shalt  }
0x50: {  	_ =	shalt  }
0x51: {  	_ =	shalt  }
0x52: {  	_ =	shalt  }
0x53: {  	_ =	shalt  }
0x54: {  	_ =	shalt  }
0x55: {  	_ =	shalt  }
0x56: {  	_ =	shalt  }
0x57: {  	_ =	shalt  }
0x58: {  	_ =	shalt  }
0x59: {  	_ =	shalt  }
0x5a: {  	_ =	shalt  }
0x5b: {  	_ =	shalt  }
0x5c: {  	_ =	shalt  }
0x5d: {  	_ =	shalt  }
0x5e: {  	_ =	shalt  }
0x5f: {  	_ =	shalt  }
0x60: {  	_ =	shalt  }
0x61: {  	_ =	shalt  }
0x62: {  	_ =	shalt  }
0x63: {  	_ =	shalt  }
0x64: {  	_ =	shalt  }
0x65: {  	_ =	shalt  }
0x66: {  	_ =	shalt  }
0x67: {  	_ =	shalt  }
0x68: {  	_ =	shalt  }
0x69: {  	_ =	shalt  }
0x6a: {  	_ =	shalt  }
0x6b: {  	_ =	shalt  }
0x6c: {  	_ =	shalt  }
0x6d: {  	_ =	shalt  }
0x6e: {  	_ =	shalt  }
0x6f: {  	_ =	shalt  }
0x70: {  	_ =	shalt  }
0x71: {  	_ =	shalt  }
0x72: {  	_ =	shalt  }
0x73: {  	_ =	shalt  }
0x74: {  	_ =	shalt  }
0x75: {  	_ =	shalt  }
0x76: {  	_ =	shalt  }
0x77: {  	_ =	shalt  }
0x78: {  	_ =	shalt  }
0x79: {  	_ =	shalt  }
0x7a: {  	_ =	shalt  }
0x7b: {  	_ =	shalt  }
0x7c: {  	_ =	shalt  }
0x7d: {  	_ =	shalt  }
0x7e: {  	_ =	shalt  }
0x7f: {  	_ =	shalt  }
0x80: {  	_ =	shalt  }
0x81: {  	_ =	shalt  }
0x82: {  	_ =	shalt  }
0x83: {  	_ =	shalt  }
0x84: {  	_ =	shalt  }
0x85: {  	_ =	shalt  }
0x86: {  	_ =	shalt  }
0x87: {  	_ =	shalt  }
.Lfunc_end0:
.L_simem_size_0:
called_computation.1_lowered:
.L_overlay_start_0:
0x88: {  	s2 =	sld [smem:$0x3FD9]  }
0x89: {  	s3 =	sld [smem:$0x3FFE];
	_ =	sdelay $0x1  }
0x8a: {  	s1 =	srdreg.scid  }
0x8b: {  	s0 =	sand.u32 $0x1, s1  }
0x8c: {  	s16 =	sshll.u32 s0, $0xA;
	s2 =	sadd.s32 s3, s2  }
0x8d: {  	s2 =	sadd.s32 s2, s16  }
0x8e: {  	[smem:$0x3FC0] =	sst s2  }
0x8f: {  	_ = 	snop  }
0x90: {  	(tm) =	ssettm $0x1  }
0x91: {  	s17 =	sld [smem:$0x3FFB];
	_ =	sdelay $0x3  }
0x92: {  	_ =	strace s17  }
0x93: {  	s2 =	sld [smem:$0x3FFC];
	_ =	sdelay $0x3  }
0x94: {  	_ =	strace s2  }
0x95: {  	s2 =	sld [smem:$0x3FFD];
	_ =	sdelay $0x3  }
0x96: {  	_ =	strace s2  }
0x97: {  	_ =	strace $0x8FFFFFFF  }
0x98: {  	s18 =	sld [smem:$0x3FDB];
	_ =	sdelay $0x1  }
0x99: {  	s19 =	simm.s32 $_scs_section_size  }
0x9a: {  	s4 =	simm.s32 $_size__tile_overlayer_lowered;
	s5 =	simm.s32 $_tile_overlayer_lowered  }
0x9b: {  	s22 =	simm.s32 $0x1BFF;
	s21 =	sshll.u32 s5, $0x1;
	s2 =	sadd.s32 s19, s18  }
0x9c: {  	s6 =	simm.s32 $0x0;
	s20 =	sshll.u32 s4, $0x1;
	s4 =	sadd.s32 s21, s2  }
0x9d: {  	[timem:s6], [sflag:s22] =	dma.local [hbm:s4], s20  }
0x9e: {  	_ =	swait.ge [sflag:s22], s20  }
0x9f: {  	s3 =	ssub.s32 $0x0, s20;
	[sflag:s22] =	ssyncset.done $0x0  }
0xa0: {  	[sflag:s22] =	ssyncadd.s32 s3;
	_ =	sdelay $0x1  }
0xa1: {  	s23 =	simm.s32 $0x1B8B  }
0xa2: {  	_ =	swait.ge [sflag:s23], $0x1  }
0xa3: {  	[sflag:s23] =	ssyncset.done $0x0  }
0xa4: {  	s25 =	simm.s32 $0x1B8E;
	s24 =	sld [smem:$0x3FFE];
	[sflag:s23] =	ssyncadd.s32 $0xFFFFFFFF  }
0xa5: {  	s26 =	simm.s32 $execute0_lowered;
	[smem:$0x3FD2] =	sst s25  }
0xa6: {  	s4 =	sshll.u32 s26, $0x1;
	_ =	strace $0x80000049;
	[dreg:$0x1] =	wrdreg $0xFFFFFFFF  }
0xa7: {  	s28 =	simm.s32 $_size_execute0_lowered;
	s2 =	sadd.s32 s2, s4;
	[dreg:$0x0] =	wrdreg $0x0  }
0xa8: {  	s4 =	sshll.u32 s28, $0x1;
	[dreg:$0x2] =	wrdreg s2  }
0xa9: {  	[dreg:$0x3] =	wrdreg s4  }
0xaa: {  	[dreg:$0x4] =	wrdreg $0xC0  }
0xab: {  	_ =	task [dreg:s6], $0x5FFFF  }
0xac: {  	[dreg:$0x1] =	wrdreg $0xFFFFFFFF  }
0xad: {  	[dreg:$0x0] =	wrdreg $0x60  }
0xae: {  	[dreg:$0x2] =	wrdreg s24  }
0xaf: {  	[dreg:$0x3] =	wrdreg $0x82000  }
0xb0: {  	[dreg:$0x4] =	wrdreg $0x9  }
0xb1: {  	_ =	task.clear_ibuf [dreg:s6], $0x5FFFF;
	_ =	strace $0x90000049  }
0xb2: {  	s29 =	simm.s32 $0x9;
	_ =	strace $0x8000004B  }
0xb3: {  	_ =	swait.ge [sflag:s29], $0x1  }
0xb4: {  	[sflag:s29] =	ssyncadd.s32 $0xFFFFFFFF  }
0xb5: {  	_ =	strace $0x9000004B  }
0xb6: {  	_ =	sfence  }
0xb7: {  	s30 =	sld [smem:$0x0];
	_ =	sdelay $0x2  }
0xb8: {  	s31 =	sshll.u32 s1, $0xD;
	s1 =	sshrl.u32 s1, $0x2  }
0xb9: {  	s3 =	sand.u32 $0x4000, s31;
	s1 =	sadd.s32 s1, s30  }
0xba: {  	s0 =	sor.u32 s3, s0;
	s1 =	sshll.u32 s1, $0x11  }
0xbb: {  	s0 =	sor.u32 s1, s0  }
0xbc: {  	s0 =	sadd.s32 $0x8F2B, s0  }
0xbd: {  	[sflag:s0] =	ssyncadd.remote.s32 $0x1  }
0xbe: {  	_ =	sfence.sel $0xFFFF  }
0xbf: {  	[dreg:$0x0] =	wrdreg $0xFFFFFFFF;
	(pc) =	sbr.abs _section_cstart, $3  }
0xc0: {  	[dreg:$0x1] =	wrdreg $0xFFFFFFFF  }
0xc1: {  	_ =	task.clear_ibuf [dreg:s6], $0x2FFFF;
	_ =	strace $0x9FFFFFFF  }
0xc2: {  	(tm) =	ssettm $0x7FFFFFFF  }
0xc3: {  	_ =	shalt  }
tec
execute0_lowered:
.L_overlay_start_1:
0x0: {  	(tag) =	ssettag $0x1  }
0x1: {  	s6 =	rddreg [dreg:$0x0]  }
0x2: {  	s2 =	rddreg [dreg:$0x1]  }
0x3: {  	s0 =	rddreg [dreg:$0x2]  }
0x4: {  	s3 =	simm.s32 $0x0;
	s4 =	srdreg.scid;
	s1 =	stileid.u32  }
0x5: {  	s16 =	simm.s32 $0x80;
	s17 =	simm.s32 $0x200;
	s18 =	simm.s32 $0x100  }
0x6: {  	s19 =	simm.s32 $0x4;
	s20 =	simm.s32 $0x4200;
	s21 =	simm.s32 $0x1  }
0x7: {  	s22 =	simm.s32 $0x3;
	s23 =	simm.s32 $0x2;
	s24 =	simm.s32 $0x180  }
0x8: {  	[smem:$0x7FF] =	sst s3;
	s7 =	sand.u32 $0x1, s4;
	s8 =	smul.u32 $0x13C00, s1  }
0x9: {  	s4 =	sadd.s32 $0x4600, s6;
	s5 =	sadd.s32 $0x5DE00, s6;
	s11 =	smul.u32 $0x4F000, s1  }
0xa: {  	s28 =	smul.u32 $0x4F00, s1;
	s29 =	sshll.u32 s1, $0x6;
	_ =	strace $0x8000004A  }
0xb: {  	s9 =	smul.u32 $0x13C000, s7;
	s10 =	sshll.u32 s7, $0x4;
	s12 =	ssub.s32 $0x2, s7  }
0xc: {  	s7 =	smul.u32 $0x4F000, s7;
	s10 =	sor.u32 s1, s10;
	s25 =	sshrl.u32 s12, $0x1  }
0xd: {  	s26 =	sshrl.u32 s11, $0x2;
	s9 =	sadd.s32 s8, s9;
	s10 =	smul.u32 $0x4F00, s10  }
0xe: {  	s8 =	sshrl.u32 s8, $0x3;
	s12 =	ssub.s32 s12, s25;
	s14 =	sadd.s32 s26, s2  }
0xf: {  	s15 =	sadd.s32 s28, s7;
	s7 =	sor.u32 $0x1C05, s29;
	s25 =	simm.s32 $0x0  }
.Ltmp0:
0x10: {  	s9 =	sshrl.u32 s9, $0x3;
	s11 =	sadd.s32 $0x300, s15;
	(pc) =	sbr.rel .LBB2_1-.Ltmp0, $4  }
0x11: {  	s14 =	sshrl.u32 s14, $0x3;
	s13 =	sadd.s32 s9, s6;
	s6 =	sadd.s32 s4, s8  }
0x12: {  	s30 =	sshrl.u32 s10, $0x3;
	s31 =	sshrl.u32 s11, $0x3;
	s11 =	smax.u32 s12, $0x1  }
0x13: {  	s8 =	sadd.s32 s5, s30;
	s10 =	sadd.s32 $0x71A00, s13;
	s12 =	sadd.s32 s31, s5  }
0x14: {  	s13 =	sadd.s32 $0x200, s15;
	s15 =	simm.s32 $0x5;
	s9 =	sadd.s32 $0x20, s8  }
.LBB2_4:
0x15: {  	_ =	swait.ge [sflag:s21], $0x4000  }
0x16: {  	[sflag:s21] =	ssyncset.done $0x0  }
0x17: {  	[sflag:s21] =	ssyncadd.s32 $0xFFFFC000  }
0x18: {  	[spmem:s2] =	stream.indirect.scatter.add.f32 [tilespmem:s17], [sflag:$0x5], $0x80, s16, s16, $0xb8;
	[tilespmem:$0x1BE00] =	vst v63  }
0x19: {  	_ =	swait.ge [sflag:s15], $0x4000  }
0x1a: {  	s25 =	sadd.s32 $0x1, s25;
	[sflag:s15] =	ssyncset.done $0x0  }
0x1b: {  	p0 =	sne.s32 s25, s11;
	[sflag:s15] =	ssyncadd.s32 $0xFFFFC000  }
.Ltmp1:
0x1c: {  	[bflag:$0x0] =	sbarrier.arrive $0xFFFF;
	(pc) =	sbr.rel @!p0 .LBB2_5-.Ltmp1, $4  }
0x1d: {  	[hbm:s10], [sflag:s7] =	dma.local [spmem:s14], $0x2780  }
0x1e: {  	_ =	swait.ge [sflag:s15], $0x2780  }
0x1f: {  	[sflag:s15] =	ssyncset.done $0x0  }
0x20: {  	[sflag:s15] =	ssyncadd.s32 $0xFFFFD880  }
.LBB2_1:
0x21: {  	[spmem:s14], [sflag:s7] =	dma.local [hbm:s6], $0x2780  }
0x22: {  	_ =	swait.ge [sflag:s15], $0x2780  }
0x23: {  	[sflag:s15] =	ssyncset.done $0x0  }
0x24: {  	[sflag:s15] =	ssyncadd.s32 $0xFFFFD880  }
0x25: {  	[bflag:$0x0] =	sbarrier.arrive $0xFFFF  }
0x26: {  	[tilespmem:s3], [sflag:$0x5] =	stream.linear.gather [hbm4b:s8+s3], $0x100, $0x38;
	[tilespmem:$0x1BE00] =	vst v63  }
0x27: {  	_ =	swait.ge [sflag:s15], $0x100  }
0x28: {  	[sflag:s15] =	ssyncset.done $0x0  }
0x29: {  	[sflag:s15] =	ssyncadd.s32 $0xFFFFFF00  }
0x2a: {  	[tilespmem:s17], [sflag:$0x1] =	stream.indirect.gather [hbm4b:s4+s16], $0x80, s3, s16, $0xb8;
	[tilespmem:$0x1BE00] =	vst v63  }
0x2b: {  	s26 =	smov.u32 s13;
	s28 =	simm.s32 $0x0  }
0x2c: {  	[tilespmem:s18], [sflag:$0x4] =	stream.linear.gather [hbm4b:s9+s3], $0x100, $0x38;
	[tilespmem:$0x1BE00] =	vst v63  }
.LBB2_2:
0x2d: {  	_ =	swait.ge [sflag:s19], $0x100  }
0x2e: {  	[sflag:s19] =	ssyncset.done $0x0  }
0x2f: {  	[sflag:s19] =	ssyncadd.s32 $0xFFFFFF00  }
0x30: {  	[tilespmem:s20], [sflag:$0x2] =	stream.indirect.gather [hbm4b:s4+s16], $0x80, s18, s16, $0xb8;
	[tilespmem:$0x1BE00] =	vst v63  }
0x31: {  	_ =	swait.ge [sflag:s21], $0x4000  }
0x32: {  	[sflag:s21] =	ssyncset.done $0x0  }
0x33: {  	[sflag:s21] =	ssyncadd.s32 $0xFFFFC000  }
0x34: {  	[spmem:s2] =	stream.indirect.scatter.add.f32 [tilespmem:s17], [sflag:$0x5], $0x80, s16, s16, $0xb8;
	[tilespmem:$0x1BE00] =	vst v63  }
0x35: {  	_ =	swait.ge [sflag:s15], $0x4000  }
0x36: {  	s29 =	sshrl.u32 s26, $0x3;
	[sflag:s15] =	ssyncset.done $0x0  }
0x37: {  	s29 =	sadd.s32 s5, s29;
	[sflag:s15] =	ssyncadd.s32 $0xFFFFC000  }
0x38: {  	[tilespmem:s3], [sflag:$0x3] =	stream.linear.gather [hbm4b:s29+s3], $0x100, $0x38;
	[tilespmem:$0x1BE00] =	vst v63  }
0x39: {  	_ =	swait.ge [sflag:s22], $0x100  }
0x3a: {  	[sflag:s22] =	ssyncset.done $0x0  }
0x3b: {  	[sflag:s22] =	ssyncadd.s32 $0xFFFFFF00  }
0x3c: {  	[tilespmem:s17], [sflag:$0x1] =	stream.indirect.gather [hbm4b:s4+s16], $0x80, s3, s16, $0xb8;
	[tilespmem:$0x1BE00] =	vst v63  }
0x3d: {  	_ =	swait.ge [sflag:s23], $0x4000  }
0x3e: {  	p0 =	seq.s32 s28, $0x980;
	[sflag:s23] =	ssyncset.done $0x0  }
.Ltmp2:
0x3f: {  	[sflag:s23] =	ssyncadd.s32 $0xFFFFC000;
	(pc) =	sbr.rel @p0 .LBB2_4-.Ltmp2, $4  }
0x40: {  	[spmem:s2] =	stream.indirect.scatter.add.f32 [tilespmem:s20], [sflag:$0x5], $0x80, s24, s16, $0xb8;
	[tilespmem:$0x1BE00] =	vst v63  }
0x41: {  	_ =	swait.ge [sflag:s15], $0x4000  }
0x42: {  	[sflag:s15] =	ssyncset.done $0x0  }
0x43: {  	[sflag:s15] =	ssyncadd.s32 $0xFFFFC000  }
.Ltmp3:
0x44: {  	(pc) =	sbr.rel .LBB2_2-.Ltmp3, $3  }
0x45: {  	_ =	sdelay $0x1  }
0x46: {  	s29 =	sadd.s32 s28, s12;
	s28 =	sadd.s32 $0x40, s28;
	s26 =	sadd.s32 $0x200, s26  }
0x47: {  	[tilespmem:s18], [sflag:$0x4] =	stream.linear.gather [hbm4b:s29+s3], $0x100, $0x38;
	[tilespmem:$0x1BE00] =	vst v63  }
.LBB2_5:
0x48: {  	_ =	sfence.sel $0x180000  }
0x49: {  	[bflag:$0x0] =	sbarrier.arrive $0xFFFF  }
0x4a: {  	p0 =	sne.s32 s1, $0x0;
	_ =	strace $0x9000004A  }
0x4b: {  	s0 =	sadd.s32 @!p0 $0x100000, s0;
	[bflag:$0x2] =	sbarrier.arrive $0xFFFF  }
0x4c: {  	[sflag:s0] =	ssyncadd.tile.s32 @!p0 $0x1;
	_ =	shalt  }
.Lfunc_end2:
_tile_overlayer_lowered:
.L_overlay_start_2:
0x4d: {  	(tag) =	ssettag $0x2  }
0x4e: {  	s0 =	rddreg [dreg:$0x0];
	s2 =	stileid.u32  }
0x4f: {  	s1 =	rddreg [dreg:$0x1];
	p0 =	sne.s32 s2, $0x0  }
0x50: {  	s3 =	rddreg [dreg:$0x2];
	[bflag:$0x3] =	sbarrier.arrive $0xFFFF;
	s2 =	simm.s32 @!p0 $0x1C05  }
0x51: {  	[timem:s3], [sflag:s2] =	dma.local @!p0 [hbm:s0], s1  }
0x52: {  	s0 =	simm.s32 @!p0 $0x5  }
0x53: {  	_ =	swait.ge @!p0 [sflag:s0], s1  }
0x54: {  	s1 =	ssub.s32 @!p0 $0x0, s1;
	[sflag:s0] =	ssyncset.done @!p0 $0x0  }
0x55: {  	[sflag:s0] =	ssyncadd.s32 @!p0 s1  }
0x56: {  	[bflag:$0x3] =	sbarrier.arrive $0xFFFF  }
0x57: {  	_ =	shalt  }

// kernel: kernel.16.cloned.1.call-start
scs
__scs_entry_jumppad:
0x0: {  	(pc) =	sbr.rel $0x88, $3  }
0x1: {  	(tag) =	ssettag $0x0;
	lr =	simm.s32 $0x1  }
0x2: {  	[smem:$0x3F99] =	sst lr;
	_ =	strace $0xD0000000  }
0x3: {  	_ = 	snop  }
0x4: {  	_ = 	snop  }
0x5: {  	_ = 	snop  }
0x6: {  	_ = 	snop  }
0x7: {  	_ = 	snop  }
__scs_overlays_trampoline_lowered:
0x8: {  	[smem:$0x3FA8] =	sst s0  }
0x9: {  	[smem:$0x3FA9] =	sst s1  }
0xa: {  	[smem:$0x3FAA] =	sst s2  }
0xb: {  	[smem:$0x3FAB] =	sst s3  }
0xc: {  	[smem:$0x3FAC] =	sst s4  }
0xd: {  	[smem:$0x3FAD] =	sst s5  }
0xe: {  	[smem:$0x3FAE] =	sst s6  }
0xf: {  	[smem:$0x3FAF] =	sst s7  }
0x10: {  	[smem:$0x3FB0] =	sst s8  }
0x11: {  	[smem:$0x3FB1] =	sst s9;
	s0 =	simm.s32 @!p0 $0x0  }
0x12: {  	s1 =	sld [smem:$0x3F97];
	s0 =	simm.s32 @p0 $0x1  }
0x13: {  	[smem:$0x3FB2] =	sst s0;
	s0 =	simm.s32 @!p1 $0x0  }
0x14: {  	s2 =	sld [smem:$0x3F96];
	s0 =	simm.s32 @p1 $0x1  }
0x15: {  	[smem:$0x3FB3] =	sst s0;
	s0 =	simm.s32 @!p2 $0x0  }
0x16: {  	s3 =	sld [smem:$0x3FDB];
	s0 =	simm.s32 @p2 $0x1  }
0x17: {  	s4 =	simm.s32 $0x1BF5;
	[smem:$0x3FB5] =	sst s0  }
0x18: {  	s0 =	sld [smem:$0x3F98];
	_ =	swait.ge [sflag:s4], $0x0  }
0x19: {  	s7 =	sld [smem:$0x3F99]  }
0x1a: {  	s8 =	sadd.s32 $0xFFFFE003, lr  }
0x1b: {  	s9 =	sadd.s32 $0xFFFFFEF7, lr;
	s5 =	simm.s32 $0xFFFFFFFF;
	p2 =	slt.u32 s8, $0xFFFFF086  }
0x1c: {  	p1 =	slt.u32 s9, $0xF7A;
	s5 =	simm.s32 @!p2 $0x0  }
0x1d: {  	s5 =	simm.s32 @p1 $0x1;
	p0 =	seq.s32 s7, s2  }
0x1e: {  	s7 =	smul.u32 @!p0 $0xF7A, s2;
	p2 =	seq.s32 @!p0 s5, $0x0  }
0x1f: {  	s9 =	smul.u32 $0xF7A, s1;
	s8 =	simm.s32 @!p0 $0x1BF5;
	p2 =	por !p2, p0  }
0x20: {  	[sflag:s8] =	ssyncset.s32 @!p0 $0xFFFFF086;
	s6 =	sadd.s32 @!p0 s3, s7;
	s7 =	simm.s32 @!p0 $0x108  }
0x21: {  	s3 =	sadd.s32 s3, s9;
	s6 =	sadd.s32 @!p0 $0x88, s6;
	s7 =	simm.s32 @p2 $0x1082  }
0x22: {  	[simem:s7], [sflag:s8] =	dma.local @!p0 [hbm:s6], $0xF7A  }
0x23: {  	s9 =	sor.u32 $0xD0000000, s2;
	s6 =	simm.s32 $0x108;
	_ =	swait.ge @!p0 [sflag:s8], $0x0  }
0x24: {  	s3 =	sadd.s32 $0x88, s3;
	s6 =	simm.s32 @!p1 $0x1082;
	[sflag:s4] =	ssyncset.s32 $0xFFFFF086  }
0x25: {  	[simem:s6], [sflag:s4] =	dma.local [hbm:s3], $0xF7A  }
0x26: {  	[smem:$0x3F99] =	sst s1;
	(tag) =	ssettag s2;
	_ =	strace s9  }
0x27: {  	s1 =	sld [smem:$0x3FA9]  }
0x28: {  	s2 =	sld [smem:$0x3FAA]  }
0x29: {  	s4 =	sld [smem:$0x3FAC]  }
0x2a: {  	p0 =	seq.s32 s5, $0x0;
	s5 =	sld [smem:$0x3FAD]  }
0x2b: {  	s6 =	sld [smem:$0x3FAE]  }
0x2c: {  	s7 =	sld [smem:$0x3FAF]  }
0x2d: {  	s3 =	simm.s32 $0x108;
	s8 =	sld [smem:$0x3FB0]  }
0x2e: {  	s3 =	simm.s32 @!p0 $0x1082;
	s9 =	sld [smem:$0x3FB1]  }
0x2f: {  	lr =	sadd.s32 s0, s3;
	s0 =	sld [smem:$0x3FA8]  }
0x30: {  	s3 =	sld [smem:$0x3FAB]  }
0x31: {  	[smem:$0x3FB4] =	sst s10  }
0x32: {  	s10 =	sld [smem:$0x3FB2];
	_ =	sdelay $0x3  }
0x33: {  	p0 =	seq.s32 s10, $0x1;
	s10 =	sld [smem:$0x3FB4];
	_ =	sdelay $0x3  }
0x34: {  	[smem:$0x3FB4] =	sst s10  }
0x35: {  	s10 =	sld [smem:$0x3FB3];
	_ =	sdelay $0x3  }
0x36: {  	p1 =	seq.s32 s10, $0x1;
	s10 =	sld [smem:$0x3FB4];
	_ =	sdelay $0x3  }
0x37: {  	[smem:$0x3FB4] =	sst s10  }
0x38: {  	s10 =	sld [smem:$0x3FB5]  }
0x39: {  	_ = 	snop;
	(pc) =	sbr.ind lr, $3  }
0x3a: {  	_ = 	snop  }
0x3b: {  	_ = 	snop  }
0x3c: {  	p2 =	seq.s32 s10, $0x1;
	s10 =	sld [smem:$0x3FB4]  }
0x3d: {  	_ =	shalt  }
0x3e: {  	_ =	shalt  }
0x3f: {  	_ =	shalt  }
0x40: {  	_ =	shalt  }
0x41: {  	_ =	shalt  }
0x42: {  	_ =	shalt  }
0x43: {  	_ =	shalt  }
0x44: {  	_ =	shalt  }
0x45: {  	_ =	shalt  }
0x46: {  	_ =	shalt  }
0x47: {  	_ =	shalt  }
0x48: {  	_ =	shalt  }
0x49: {  	_ =	shalt  }
0x4a: {  	_ =	shalt  }
0x4b: {  	_ =	shalt  }
0x4c: {  	_ =	shalt  }
0x4d: {  	_ =	shalt  }
0x4e: {  	_ =	shalt  }
0x4f: {  	_ =	shalt  }
0x50: {  	_ =	shalt  }
0x51: {  	_ =	shalt  }
0x52: {  	_ =	shalt  }
0x53: {  	_ =	shalt  }
0x54: {  	_ =	shalt  }
0x55: {  	_ =	shalt  }
0x56: {  	_ =	shalt  }
0x57: {  	_ =	shalt  }
0x58: {  	_ =	shalt  }
0x59: {  	_ =	shalt  }
0x5a: {  	_ =	shalt  }
0x5b: {  	_ =	shalt  }
0x5c: {  	_ =	shalt  }
0x5d: {  	_ =	shalt  }
0x5e: {  	_ =	shalt  }
0x5f: {  	_ =	shalt  }
0x60: {  	_ =	shalt  }
0x61: {  	_ =	shalt  }
0x62: {  	_ =	shalt  }
0x63: {  	_ =	shalt  }
0x64: {  	_ =	shalt  }
0x65: {  	_ =	shalt  }
0x66: {  	_ =	shalt  }
0x67: {  	_ =	shalt  }
0x68: {  	_ =	shalt  }
0x69: {  	_ =	shalt  }
0x6a: {  	_ =	shalt  }
0x6b: {  	_ =	shalt  }
0x6c: {  	_ =	shalt  }
0x6d: {  	_ =	shalt  }
0x6e: {  	_ =	shalt  }
0x6f: {  	_ =	shalt  }
0x70: {  	_ =	shalt  }
0x71: {  	_ =	shalt  }
0x72: {  	_ =	shalt  }
0x73: {  	_ =	shalt  }
0x74: {  	_ =	shalt  }
0x75: {  	_ =	shalt  }
0x76: {  	_ =	shalt  }
0x77: {  	_ =	shalt  }
0x78: {  	_ =	shalt  }
0x79: {  	_ =	shalt  }
0x7a: {  	_ =	shalt  }
0x7b: {  	_ =	shalt  }
0x7c: {  	_ =	shalt  }
0x7d: {  	_ =	shalt  }
0x7e: {  	_ =	shalt  }
0x7f: {  	_ =	shalt  }
0x80: {  	_ =	shalt  }
0x81: {  	_ =	shalt  }
0x82: {  	_ =	shalt  }
0x83: {  	_ =	shalt  }
0x84: {  	_ =	shalt  }
0x85: {  	_ =	shalt  }
0x86: {  	_ =	shalt  }
0x87: {  	_ =	shalt  }
.Lfunc_end0:
.L_simem_size_0:
called_computation.2_lowered:
.L_overlay_start_0:
0x88: {  	s2 =	sld [smem:$0x3FD9]  }
0x89: {  	s3 =	sld [smem:$0x3FFE];
	_ =	sdelay $0x1  }
0x8a: {  	s1 =	srdreg.scid  }
0x8b: {  	s0 =	sand.u32 $0x1, s1  }
0x8c: {  	s16 =	sshll.u32 s0, $0xA;
	s2 =	sadd.s32 s3, s2  }
0x8d: {  	s2 =	sadd.s32 s2, s16  }
0x8e: {  	[smem:$0x3FC0] =	sst s2  }
0x8f: {  	_ = 	snop  }
0x90: {  	(tm) =	ssettm $0x1  }
0x91: {  	s17 =	sld [smem:$0x3FFB];
	_ =	sdelay $0x3  }
0x92: {  	_ =	strace s17  }
0x93: {  	s2 =	sld [smem:$0x3FFC];
	_ =	sdelay $0x3  }
0x94: {  	_ =	strace s2  }
0x95: {  	s2 =	sld [smem:$0x3FFD];
	_ =	sdelay $0x3  }
0x96: {  	_ =	strace s2  }
0x97: {  	_ =	strace $0x8FFFFFFF  }
0x98: {  	s18 =	sld [smem:$0x3FDB];
	_ =	sdelay $0x1  }
0x99: {  	s19 =	simm.s32 $_scs_section_size  }
0x9a: {  	s4 =	simm.s32 $_size__tile_overlayer_lowered;
	s5 =	simm.s32 $_tile_overlayer_lowered  }
0x9b: {  	s22 =	simm.s32 $0x1BFF;
	s21 =	sshll.u32 s5, $0x1;
	s2 =	sadd.s32 s19, s18  }
0x9c: {  	s6 =	simm.s32 $0x0;
	s20 =	sshll.u32 s4, $0x1;
	s4 =	sadd.s32 s21, s2  }
0x9d: {  	[timem:s6], [sflag:s22] =	dma.local [hbm:s4], s20  }
0x9e: {  	_ =	swait.ge [sflag:s22], s20  }
0x9f: {  	s3 =	ssub.s32 $0x0, s20;
	[sflag:s22] =	ssyncset.done $0x0  }
0xa0: {  	[sflag:s22] =	ssyncadd.s32 s3;
	_ =	sdelay $0x1  }
0xa1: {  	s23 =	simm.s32 $0x1B8B  }
0xa2: {  	_ =	swait.ge [sflag:s23], $0x1  }
0xa3: {  	[sflag:s23] =	ssyncset.done $0x0  }
0xa4: {  	s25 =	simm.s32 $0x1B8E;
	s24 =	sld [smem:$0x3FFE];
	[sflag:s23] =	ssyncadd.s32 $0xFFFFFFFF  }
0xa5: {  	s26 =	simm.s32 $execute0_lowered;
	[smem:$0x3FD2] =	sst s25  }
0xa6: {  	s4 =	sshll.u32 s26, $0x1;
	_ =	strace $0x8000004C;
	[dreg:$0x1] =	wrdreg $0xFFFFFFFF  }
0xa7: {  	s28 =	simm.s32 $_size_execute0_lowered;
	s2 =	sadd.s32 s2, s4;
	[dreg:$0x0] =	wrdreg $0x0  }
0xa8: {  	s4 =	sshll.u32 s28, $0x1;
	[dreg:$0x2] =	wrdreg s2  }
0xa9: {  	[dreg:$0x3] =	wrdreg s4  }
0xaa: {  	[dreg:$0x4] =	wrdreg $0xC0  }
0xab: {  	_ =	task [dreg:s6], $0x5FFFF  }
0xac: {  	[dreg:$0x1] =	wrdreg $0xFFFFFFFF  }
0xad: {  	[dreg:$0x0] =	wrdreg $0x60  }
0xae: {  	[dreg:$0x2] =	wrdreg s24  }
0xaf: {  	[dreg:$0x3] =	wrdreg $0x82000  }
0xb0: {  	[dreg:$0x4] =	wrdreg $0x9  }
0xb1: {  	_ =	task.clear_ibuf [dreg:s6], $0x5FFFF;
	_ =	strace $0x9000004C  }
0xb2: {  	s29 =	simm.s32 $0x9;
	_ =	strace $0x8000004E  }
0xb3: {  	_ =	swait.ge [sflag:s29], $0x1  }
0xb4: {  	[sflag:s29] =	ssyncadd.s32 $0xFFFFFFFF  }
0xb5: {  	_ =	strace $0x9000004E  }
0xb6: {  	_ =	sfence  }
0xb7: {  	s30 =	sld [smem:$0x0];
	_ =	sdelay $0x2  }
0xb8: {  	s31 =	sshll.u32 s1, $0xD;
	s1 =	sshrl.u32 s1, $0x2  }
0xb9: {  	s3 =	sand.u32 $0x4000, s31;
	s1 =	sadd.s32 s1, s30  }
0xba: {  	s0 =	sor.u32 s3, s0;
	s1 =	sshll.u32 s1, $0x11  }
0xbb: {  	s0 =	sor.u32 s1, s0  }
0xbc: {  	s0 =	sadd.s32 $0x8F2B, s0  }
0xbd: {  	[sflag:s0] =	ssyncadd.remote.s32 $0x1  }
0xbe: {  	_ =	sfence.sel $0xFFFF  }
0xbf: {  	[dreg:$0x0] =	wrdreg $0xFFFFFFFF;
	(pc) =	sbr.abs _section_cstart, $3  }
0xc0: {  	[dreg:$0x1] =	wrdreg $0xFFFFFFFF  }
0xc1: {  	_ =	task.clear_ibuf [dreg:s6], $0x2FFFF;
	_ =	strace $0x9FFFFFFF  }
0xc2: {  	(tm) =	ssettm $0x7FFFFFFF  }
0xc3: {  	_ =	shalt  }
tec
execute0_lowered:
.L_overlay_start_1:
0x0: {  	(tag) =	ssettag $0x1  }
0x1: {  	s6 =	rddreg [dreg:$0x0]  }
0x2: {  	s2 =	rddreg [dreg:$0x1]  }
0x3: {  	s0 =	rddreg [dreg:$0x2]  }
0x4: {  	s3 =	simm.s32 $0x0;
	s4 =	srdreg.scid;
	s1 =	stileid.u32  }
0x5: {  	s16 =	simm.s32 $0x80;
	s17 =	simm.s32 $0x200;
	s18 =	simm.s32 $0x100  }
0x6: {  	s19 =	simm.s32 $0x4;
	s20 =	simm.s32 $0x4200;
	s21 =	simm.s32 $0x1  }
0x7: {  	s22 =	simm.s32 $0x3;
	s23 =	simm.s32 $0x2;
	s24 =	simm.s32 $0x180  }
0x8: {  	[smem:$0x7FF] =	sst s3;
	s7 =	sand.u32 $0x1, s4;
	s8 =	smul.u32 $0x13C00, s1  }
0x9: {  	s4 =	sadd.s32 $0x4600, s6;
	s5 =	sadd.s32 $0x5DE00, s6;
	s11 =	smul.u32 $0x4F000, s1  }
0xa: {  	s28 =	smul.u32 $0x4F00, s1;
	s29 =	sshll.u32 s1, $0x6;
	_ =	strace $0x8000004D  }
0xb: {  	s9 =	smul.u32 $0x13C000, s7;
	s10 =	sshll.u32 s7, $0x4;
	s12 =	ssub.s32 $0x2, s7  }
0xc: {  	s7 =	smul.u32 $0x4F000, s7;
	s10 =	sor.u32 s1, s10;
	s25 =	sshrl.u32 s12, $0x1  }
0xd: {  	s26 =	sshrl.u32 s11, $0x2;
	s9 =	sadd.s32 s8, s9;
	s10 =	smul.u32 $0x4F00, s10  }
0xe: {  	s8 =	sshrl.u32 s8, $0x3;
	s12 =	ssub.s32 s12, s25;
	s14 =	sadd.s32 s26, s2  }
0xf: {  	s15 =	sadd.s32 s28, s7;
	s7 =	sor.u32 $0x1C05, s29;
	s25 =	simm.s32 $0x0  }
.Ltmp0:
0x10: {  	s9 =	sshrl.u32 s9, $0x3;
	s11 =	sadd.s32 $0x300, s15;
	(pc) =	sbr.rel .LBB2_1-.Ltmp0, $4  }
0x11: {  	s14 =	sshrl.u32 s14, $0x3;
	s13 =	sadd.s32 s9, s6;
	s6 =	sadd.s32 s4, s8  }
0x12: {  	s30 =	sshrl.u32 s10, $0x3;
	s31 =	sshrl.u32 s11, $0x3;
	s11 =	smax.u32 s12, $0x1  }
0x13: {  	s8 =	sadd.s32 s5, s30;
	s10 =	sadd.s32 $0x71A00, s13;
	s12 =	sadd.s32 s31, s5  }
0x14: {  	s13 =	sadd.s32 $0x200, s15;
	s15 =	simm.s32 $0x5;
	s9 =	sadd.s32 $0x20, s8  }
.LBB2_4:
0x15: {  	_ =	swait.ge [sflag:s21], $0x4000  }
0x16: {  	[sflag:s21] =	ssyncset.done $0x0  }
0x17: {  	[sflag:s21] =	ssyncadd.s32 $0xFFFFC000  }
0x18: {  	[spmem:s2] =	stream.indirect.scatter.add.f32 [tilespmem:s17], [sflag:$0x5], $0x80, s16, s16, $0xb8;
	[tilespmem:$0x1BE00] =	vst v63  }
0x19: {  	_ =	swait.ge [sflag:s15], $0x4000  }
0x1a: {  	s25 =	sadd.s32 $0x1, s25;
	[sflag:s15] =	ssyncset.done $0x0  }
0x1b: {  	p0 =	sne.s32 s25, s11;
	[sflag:s15] =	ssyncadd.s32 $0xFFFFC000  }
.Ltmp1:
0x1c: {  	[bflag:$0x0] =	sbarrier.arrive $0xFFFF;
	(pc) =	sbr.rel @!p0 .LBB2_5-.Ltmp1, $4  }
0x1d: {  	[hbm:s10], [sflag:s7] =	dma.local [spmem:s14], $0x2780  }
0x1e: {  	_ =	swait.ge [sflag:s15], $0x2780  }
0x1f: {  	[sflag:s15] =	ssyncset.done $0x0  }
0x20: {  	[sflag:s15] =	ssyncadd.s32 $0xFFFFD880  }
.LBB2_1:
0x21: {  	[spmem:s14], [sflag:s7] =	dma.local [hbm:s6], $0x2780  }
0x22: {  	_ =	swait.ge [sflag:s15], $0x2780  }
0x23: {  	[sflag:s15] =	ssyncset.done $0x0  }
0x24: {  	[sflag:s15] =	ssyncadd.s32 $0xFFFFD880  }
0x25: {  	[bflag:$0x0] =	sbarrier.arrive $0xFFFF  }
0x26: {  	[tilespmem:s3], [sflag:$0x5] =	stream.linear.gather [hbm4b:s8+s3], $0x100, $0x38;
	[tilespmem:$0x1BE00] =	vst v63  }
0x27: {  	_ =	swait.ge [sflag:s15], $0x100  }
0x28: {  	[sflag:s15] =	ssyncset.done $0x0  }
0x29: {  	[sflag:s15] =	ssyncadd.s32 $0xFFFFFF00  }
0x2a: {  	[tilespmem:s17], [sflag:$0x1] =	stream.indirect.gather [hbm4b:s4+s16], $0x80, s3, s16, $0xb8;
	[tilespmem:$0x1BE00] =	vst v63  }
0x2b: {  	s26 =	smov.u32 s13;
	s28 =	simm.s32 $0x0  }
0x2c: {  	[tilespmem:s18], [sflag:$0x4] =	stream.linear.gather [hbm4b:s9+s3], $0x100, $0x38;
	[tilespmem:$0x1BE00] =	vst v63  }
.LBB2_2:
0x2d: {  	_ =	swait.ge [sflag:s19], $0x100  }
0x2e: {  	[sflag:s19] =	ssyncset.done $0x0  }
0x2f: {  	[sflag:s19] =	ssyncadd.s32 $0xFFFFFF00  }
0x30: {  	[tilespmem:s20], [sflag:$0x2] =	stream.indirect.gather [hbm4b:s4+s16], $0x80, s18, s16, $0xb8;
	[tilespmem:$0x1BE00] =	vst v63  }
0x31: {  	_ =	swait.ge [sflag:s21], $0x4000  }
0x32: {  	[sflag:s21] =	ssyncset.done $0x0  }
0x33: {  	[sflag:s21] =	ssyncadd.s32 $0xFFFFC000  }
0x34: {  	[spmem:s2] =	stream.indirect.scatter.add.f32 [tilespmem:s17], [sflag:$0x5], $0x80, s16, s16, $0xb8;
	[tilespmem:$0x1BE00] =	vst v63  }
0x35: {  	_ =	swait.ge [sflag:s15], $0x4000  }
0x36: {  	s29 =	sshrl.u32 s26, $0x3;
	[sflag:s15] =	ssyncset.done $0x0  }
0x37: {  	s29 =	sadd.s32 s5, s29;
	[sflag:s15] =	ssyncadd.s32 $0xFFFFC000  }
0x38: {  	[tilespmem:s3], [sflag:$0x3] =	stream.linear.gather [hbm4b:s29+s3], $0x100, $0x38;
	[tilespmem:$0x1BE00] =	vst v63  }
0x39: {  	_ =	swait.ge [sflag:s22], $0x100  }
0x3a: {  	[sflag:s22] =	ssyncset.done $0x0  }
0x3b: {  	[sflag:s22] =	ssyncadd.s32 $0xFFFFFF00  }
0x3c: {  	[tilespmem:s17], [sflag:$0x1] =	stream.indirect.gather [hbm4b:s4+s16], $0x80, s3, s16, $0xb8;
	[tilespmem:$0x1BE00] =	vst v63  }
0x3d: {  	_ =	swait.ge [sflag:s23], $0x4000  }
0x3e: {  	p0 =	seq.s32 s28, $0x980;
	[sflag:s23] =	ssyncset.done $0x0  }
.Ltmp2:
0x3f: {  	[sflag:s23] =	ssyncadd.s32 $0xFFFFC000;
	(pc) =	sbr.rel @p0 .LBB2_4-.Ltmp2, $4  }
0x40: {  	[spmem:s2] =	stream.indirect.scatter.add.f32 [tilespmem:s20], [sflag:$0x5], $0x80, s24, s16, $0xb8;
	[tilespmem:$0x1BE00] =	vst v63  }
0x41: {  	_ =	swait.ge [sflag:s15], $0x4000  }
0x42: {  	[sflag:s15] =	ssyncset.done $0x0  }
0x43: {  	[sflag:s15] =	ssyncadd.s32 $0xFFFFC000  }
.Ltmp3:
0x44: {  	(pc) =	sbr.rel .LBB2_2-.Ltmp3, $3  }
0x45: {  	_ =	sdelay $0x1  }
0x46: {  	s29 =	sadd.s32 s28, s12;
	s28 =	sadd.s32 $0x40, s28;
	s26 =	sadd.s32 $0x200, s26  }
0x47: {  	[tilespmem:s18], [sflag:$0x4] =	stream.linear.gather [hbm4b:s29+s3], $0x100, $0x38;
	[tilespmem:$0x1BE00] =	vst v63  }
.LBB2_5:
0x48: {  	_ =	sfence.sel $0x180000  }
0x49: {  	[bflag:$0x0] =	sbarrier.arrive $0xFFFF  }
0x4a: {  	p0 =	sne.s32 s1, $0x0;
	_ =	strace $0x9000004D  }
0x4b: {  	s0 =	sadd.s32 @!p0 $0x100000, s0;
	[bflag:$0x2] =	sbarrier.arrive $0xFFFF  }
0x4c: {  	[sflag:s0] =	ssyncadd.tile.s32 @!p0 $0x1;
	_ =	shalt  }
.Lfunc_end2:
_tile_overlayer_lowered:
.L_overlay_start_2:
0x4d: {  	(tag) =	ssettag $0x2  }
0x4e: {  	s0 =	rddreg [dreg:$0x0];
	s2 =	stileid.u32  }
0x4f: {  	s1 =	rddreg [dreg:$0x1];
	p0 =	sne.s32 s2, $0x0  }
0x50: {  	s3 =	rddreg [dreg:$0x2];
	[bflag:$0x3] =	sbarrier.arrive $0xFFFF;
	s2 =	simm.s32 @!p0 $0x1C05  }
0x51: {  	[timem:s3], [sflag:s2] =	dma.local @!p0 [hbm:s0], s1  }
0x52: {  	s0 =	simm.s32 @!p0 $0x5  }
0x53: {  	_ =	swait.ge @!p0 [sflag:s0], s1  }
0x54: {  	s1 =	ssub.s32 @!p0 $0x0, s1;
	[sflag:s0] =	ssyncset.done @!p0 $0x0  }
0x55: {  	[sflag:s0] =	ssyncadd.s32 @!p0 s1  }
0x56: {  	[bflag:$0x3] =	sbarrier.arrive $0xFFFF  }
0x57: {  	_ =	shalt  }

// kernel: kernel.19.cloned.1.call-start
scs
__scs_entry_jumppad:
0x0: {  	(pc) =	sbr.rel $0x88, $3  }
0x1: {  	(tag) =	ssettag $0x0;
	lr =	simm.s32 $0x1  }
0x2: {  	[smem:$0x3F99] =	sst lr;
	_ =	strace $0xD0000000  }
0x3: {  	_ = 	snop  }
0x4: {  	_ = 	snop  }
0x5: {  	_ = 	snop  }
0x6: {  	_ = 	snop  }
0x7: {  	_ = 	snop  }
__scs_overlays_trampoline_lowered:
0x8: {  	[smem:$0x3FA8] =	sst s0  }
0x9: {  	[smem:$0x3FA9] =	sst s1  }
0xa: {  	[smem:$0x3FAA] =	sst s2  }
0xb: {  	[smem:$0x3FAB] =	sst s3  }
0xc: {  	[smem:$0x3FAC] =	sst s4  }
0xd: {  	[smem:$0x3FAD] =	sst s5  }
0xe: {  	[smem:$0x3FAE] =	sst s6  }
0xf: {  	[smem:$0x3FAF] =	sst s7  }
0x10: {  	[smem:$0x3FB0] =	sst s8  }
0x11: {  	[smem:$0x3FB1] =	sst s9;
	s0 =	simm.s32 @!p0 $0x0  }
0x12: {  	s1 =	sld [smem:$0x3F97];
	s0 =	simm.s32 @p0 $0x1  }
0x13: {  	[smem:$0x3FB2] =	sst s0;
	s0 =	simm.s32 @!p1 $0x0  }
0x14: {  	s2 =	sld [smem:$0x3F96];
	s0 =	simm.s32 @p1 $0x1  }
0x15: {  	[smem:$0x3FB3] =	sst s0;
	s0 =	simm.s32 @!p2 $0x0  }
0x16: {  	s3 =	sld [smem:$0x3FDB];
	s0 =	simm.s32 @p2 $0x1  }
0x17: {  	s4 =	simm.s32 $0x1BF5;
	[smem:$0x3FB5] =	sst s0  }
0x18: {  	s0 =	sld [smem:$0x3F98];
	_ =	swait.ge [sflag:s4], $0x0  }
0x19: {  	s7 =	sld [smem:$0x3F99]  }
0x1a: {  	s8 =	sadd.s32 $0xFFFFE003, lr  }
0x1b: {  	s9 =	sadd.s32 $0xFFFFFEF7, lr;
	s5 =	simm.s32 $0xFFFFFFFF;
	p2 =	slt.u32 s8, $0xFFFFF086  }
0x1c: {  	p1 =	slt.u32 s9, $0xF7A;
	s5 =	simm.s32 @!p2 $0x0  }
0x1d: {  	s5 =	simm.s32 @p1 $0x1;
	p0 =	seq.s32 s7, s2  }
0x1e: {  	s7 =	smul.u32 @!p0 $0xF7A, s2;
	p2 =	seq.s32 @!p0 s5, $0x0  }
0x1f: {  	s9 =	smul.u32 $0xF7A, s1;
	s8 =	simm.s32 @!p0 $0x1BF5;
	p2 =	por !p2, p0  }
0x20: {  	[sflag:s8] =	ssyncset.s32 @!p0 $0xFFFFF086;
	s6 =	sadd.s32 @!p0 s3, s7;
	s7 =	simm.s32 @!p0 $0x108  }
0x21: {  	s3 =	sadd.s32 s3, s9;
	s6 =	sadd.s32 @!p0 $0x88, s6;
	s7 =	simm.s32 @p2 $0x1082  }
0x22: {  	[simem:s7], [sflag:s8] =	dma.local @!p0 [hbm:s6], $0xF7A  }
0x23: {  	s9 =	sor.u32 $0xD0000000, s2;
	s6 =	simm.s32 $0x108;
	_ =	swait.ge @!p0 [sflag:s8], $0x0  }
0x24: {  	s3 =	sadd.s32 $0x88, s3;
	s6 =	simm.s32 @!p1 $0x1082;
	[sflag:s4] =	ssyncset.s32 $0xFFFFF086  }
0x25: {  	[simem:s6], [sflag:s4] =	dma.local [hbm:s3], $0xF7A  }
0x26: {  	[smem:$0x3F99] =	sst s1;
	(tag) =	ssettag s2;
	_ =	strace s9  }
0x27: {  	s1 =	sld [smem:$0x3FA9]  }
0x28: {  	s2 =	sld [smem:$0x3FAA]  }
0x29: {  	s4 =	sld [smem:$0x3FAC]  }
0x2a: {  	p0 =	seq.s32 s5, $0x0;
	s5 =	sld [smem:$0x3FAD]  }
0x2b: {  	s6 =	sld [smem:$0x3FAE]  }
0x2c: {  	s7 =	sld [smem:$0x3FAF]  }
0x2d: {  	s3 =	simm.s32 $0x108;
	s8 =	sld [smem:$0x3FB0]  }
0x2e: {  	s3 =	simm.s32 @!p0 $0x1082;
	s9 =	sld [smem:$0x3FB1]  }
0x2f: {  	lr =	sadd.s32 s0, s3;
	s0 =	sld [smem:$0x3FA8]  }
0x30: {  	s3 =	sld [smem:$0x3FAB]  }
0x31: {  	[smem:$0x3FB4] =	sst s10  }
0x32: {  	s10 =	sld [smem:$0x3FB2];
	_ =	sdelay $0x3  }
0x33: {  	p0 =	seq.s32 s10, $0x1;
	s10 =	sld [smem:$0x3FB4];
	_ =	sdelay $0x3  }
0x34: {  	[smem:$0x3FB4] =	sst s10  }
0x35: {  	s10 =	sld [smem:$0x3FB3];
	_ =	sdelay $0x3  }
0x36: {  	p1 =	seq.s32 s10, $0x1;
	s10 =	sld [smem:$0x3FB4];
	_ =	sdelay $0x3  }
0x37: {  	[smem:$0x3FB4] =	sst s10  }
0x38: {  	s10 =	sld [smem:$0x3FB5]  }
0x39: {  	_ = 	snop;
	(pc) =	sbr.ind lr, $3  }
0x3a: {  	_ = 	snop  }
0x3b: {  	_ = 	snop  }
0x3c: {  	p2 =	seq.s32 s10, $0x1;
	s10 =	sld [smem:$0x3FB4]  }
0x3d: {  	_ =	shalt  }
0x3e: {  	_ =	shalt  }
0x3f: {  	_ =	shalt  }
0x40: {  	_ =	shalt  }
0x41: {  	_ =	shalt  }
0x42: {  	_ =	shalt  }
0x43: {  	_ =	shalt  }
0x44: {  	_ =	shalt  }
0x45: {  	_ =	shalt  }
0x46: {  	_ =	shalt  }
0x47: {  	_ =	shalt  }
0x48: {  	_ =	shalt  }
0x49: {  	_ =	shalt  }
0x4a: {  	_ =	shalt  }
0x4b: {  	_ =	shalt  }
0x4c: {  	_ =	shalt  }
0x4d: {  	_ =	shalt  }
0x4e: {  	_ =	shalt  }
0x4f: {  	_ =	shalt  }
0x50: {  	_ =	shalt  }
0x51: {  	_ =	shalt  }
0x52: {  	_ =	shalt  }
0x53: {  	_ =	shalt  }
0x54: {  	_ =	shalt  }
0x55: {  	_ =	shalt  }
0x56: {  	_ =	shalt  }
0x57: {  	_ =	shalt  }
0x58: {  	_ =	shalt  }
0x59: {  	_ =	shalt  }
0x5a: {  	_ =	shalt  }
0x5b: {  	_ =	shalt  }
0x5c: {  	_ =	shalt  }
0x5d: {  	_ =	shalt  }
0x5e: {  	_ =	shalt  }
0x5f: {  	_ =	shalt  }
0x60: {  	_ =	shalt  }
0x61: {  	_ =	shalt  }
0x62: {  	_ =	shalt  }
0x63: {  	_ =	shalt  }
0x64: {  	_ =	shalt  }
0x65: {  	_ =	shalt  }
0x66: {  	_ =	shalt  }
0x67: {  	_ =	shalt  }
0x68: {  	_ =	shalt  }
0x69: {  	_ =	shalt  }
0x6a: {  	_ =	shalt  }
0x6b: {  	_ =	shalt  }
0x6c: {  	_ =	shalt  }
0x6d: {  	_ =	shalt  }
0x6e: {  	_ =	shalt  }
0x6f: {  	_ =	shalt  }
0x70: {  	_ =	shalt  }
0x71: {  	_ =	shalt  }
0x72: {  	_ =	shalt  }
0x73: {  	_ =	shalt  }
0x74: {  	_ =	shalt  }
0x75: {  	_ =	shalt  }
0x76: {  	_ =	shalt  }
0x77: {  	_ =	shalt  }
0x78: {  	_ =	shalt  }
0x79: {  	_ =	shalt  }
0x7a: {  	_ =	shalt  }
0x7b: {  	_ =	shalt  }
0x7c: {  	_ =	shalt  }
0x7d: {  	_ =	shalt  }
0x7e: {  	_ =	shalt  }
0x7f: {  	_ =	shalt  }
0x80: {  	_ =	shalt  }
0x81: {  	_ =	shalt  }
0x82: {  	_ =	shalt  }
0x83: {  	_ =	shalt  }
0x84: {  	_ =	shalt  }
0x85: {  	_ =	shalt  }
0x86: {  	_ =	shalt  }
0x87: {  	_ =	shalt  }
.Lfunc_end0:
.L_simem_size_0:
called_computation.3_lowered:
.L_overlay_start_0:
0x88: {  	s2 =	sld [smem:$0x3FD9]  }
0x89: {  	s3 =	sld [smem:$0x3FFE];
	_ =	sdelay $0x1  }
0x8a: {  	s1 =	srdreg.scid  }
0x8b: {  	s0 =	sand.u32 $0x1, s1  }
0x8c: {  	s16 =	sshll.u32 s0, $0xA;
	s2 =	sadd.s32 s3, s2  }
0x8d: {  	s2 =	sadd.s32 s2, s16  }
0x8e: {  	[smem:$0x3FC0] =	sst s2  }
0x8f: {  	_ = 	snop  }
0x90: {  	(tm) =	ssettm $0x1  }
0x91: {  	s17 =	sld [smem:$0x3FFB];
	_ =	sdelay $0x3  }
0x92: {  	_ =	strace s17  }
0x93: {  	s2 =	sld [smem:$0x3FFC];
	_ =	sdelay $0x3  }
0x94: {  	_ =	strace s2  }
0x95: {  	s2 =	sld [smem:$0x3FFD];
	_ =	sdelay $0x3  }
0x96: {  	_ =	strace s2  }
0x97: {  	_ =	strace $0x8FFFFFFF  }
0x98: {  	s18 =	sld [smem:$0x3FDB];
	_ =	sdelay $0x1  }
0x99: {  	s19 =	simm.s32 $_scs_section_size  }
0x9a: {  	s4 =	simm.s32 $_size__tile_overlayer_lowered;
	s5 =	simm.s32 $_tile_overlayer_lowered  }
0x9b: {  	s22 =	simm.s32 $0x1BFF;
	s21 =	sshll.u32 s5, $0x1;
	s2 =	sadd.s32 s19, s18  }
0x9c: {  	s6 =	simm.s32 $0x0;
	s20 =	sshll.u32 s4, $0x1;
	s4 =	sadd.s32 s21, s2  }
0x9d: {  	[timem:s6], [sflag:s22] =	dma.local [hbm:s4], s20  }
0x9e: {  	_ =	swait.ge [sflag:s22], s20  }
0x9f: {  	s3 =	ssub.s32 $0x0, s20;
	[sflag:s22] =	ssyncset.done $0x0  }
0xa0: {  	[sflag:s22] =	ssyncadd.s32 s3;
	_ =	sdelay $0x1  }
0xa1: {  	s23 =	simm.s32 $0x1B8B  }
0xa2: {  	_ =	swait.ge [sflag:s23], $0x1  }
0xa3: {  	[sflag:s23] =	ssyncset.done $0x0  }
0xa4: {  	s25 =	simm.s32 $0x1B8E;
	s24 =	sld [smem:$0x3FFE];
	[sflag:s23] =	ssyncadd.s32 $0xFFFFFFFF  }
0xa5: {  	s26 =	simm.s32 $execute0_lowered;
	[smem:$0x3FD2] =	sst s25  }
0xa6: {  	s4 =	sshll.u32 s26, $0x1;
	_ =	strace $0x8000004F;
	[dreg:$0x1] =	wrdreg $0xFFFFFFFF  }
0xa7: {  	s28 =	simm.s32 $_size_execute0_lowered;
	s2 =	sadd.s32 s2, s4;
	[dreg:$0x0] =	wrdreg $0x0  }
0xa8: {  	s4 =	sshll.u32 s28, $0x1;
	[dreg:$0x2] =	wrdreg s2  }
0xa9: {  	[dreg:$0x3] =	wrdreg s4  }
0xaa: {  	[dreg:$0x4] =	wrdreg $0xC0  }
0xab: {  	_ =	task [dreg:s6], $0x5FFFF  }
0xac: {  	[dreg:$0x1] =	wrdreg $0xFFFFFFFF  }
0xad: {  	[dreg:$0x0] =	wrdreg $0x60  }
0xae: {  	[dreg:$0x2] =	wrdreg s24  }
0xaf: {  	[dreg:$0x3] =	wrdreg $0x82000  }
0xb0: {  	[dreg:$0x4] =	wrdreg $0x9  }
0xb1: {  	_ =	task.clear_ibuf [dreg:s6], $0x5FFFF;
	_ =	strace $0x9000004F  }
0xb2: {  	s29 =	simm.s32 $0x9;
	_ =	strace $0x80000051  }
0xb3: {  	_ =	swait.ge [sflag:s29], $0x1  }
0xb4: {  	[sflag:s29] =	ssyncadd.s32 $0xFFFFFFFF  }
0xb5: {  	_ =	strace $0x90000051  }
0xb6: {  	_ =	sfence  }
0xb7: {  	s30 =	sld [smem:$0x0];
	_ =	sdelay $0x2  }
0xb8: {  	s31 =	sshll.u32 s1, $0xD;
	s1 =	sshrl.u32 s1, $0x2  }
0xb9: {  	s3 =	sand.u32 $0x4000, s31;
	s1 =	sadd.s32 s1, s30  }
0xba: {  	s0 =	sor.u32 s3, s0;
	s1 =	sshll.u32 s1, $0x11  }
0xbb: {  	s0 =	sor.u32 s1, s0  }
0xbc: {  	s0 =	sadd.s32 $0x8F2B, s0  }
0xbd: {  	[sflag:s0] =	ssyncadd.remote.s32 $0x1  }
0xbe: {  	_ =	sfence.sel $0xFFFF  }
0xbf: {  	[dreg:$0x0] =	wrdreg $0xFFFFFFFF;
	(pc) =	sbr.abs _section_cstart, $3  }
0xc0: {  	[dreg:$0x1] =	wrdreg $0xFFFFFFFF  }
0xc1: {  	_ =	task.clear_ibuf [dreg:s6], $0x2FFFF;
	_ =	strace $0x9FFFFFFF  }
0xc2: {  	(tm) =	ssettm $0x7FFFFFFF  }
0xc3: {  	_ =	shalt  }
tec
execute0_lowered:
.L_overlay_start_1:
0x0: {  	(tag) =	ssettag $0x1  }
0x1: {  	s6 =	rddreg [dreg:$0x0]  }
0x2: {  	s2 =	rddreg [dreg:$0x1]  }
0x3: {  	s0 =	rddreg [dreg:$0x2]  }
0x4: {  	s3 =	simm.s32 $0x0;
	s4 =	srdreg.scid;
	s1 =	stileid.u32  }
0x5: {  	s16 =	simm.s32 $0x80;
	s17 =	simm.s32 $0x200;
	s18 =	simm.s32 $0x100  }
0x6: {  	s19 =	simm.s32 $0x4;
	s20 =	simm.s32 $0x4200;
	s21 =	simm.s32 $0x1  }
0x7: {  	s22 =	simm.s32 $0x3;
	s23 =	simm.s32 $0x2;
	s24 =	simm.s32 $0x180  }
0x8: {  	[smem:$0x7FF] =	sst s3;
	s7 =	sand.u32 $0x1, s4;
	s8 =	smul.u32 $0x13C00, s1  }
0x9: {  	s4 =	sadd.s32 $0x4600, s6;
	s5 =	sadd.s32 $0x5DE00, s6;
	s11 =	smul.u32 $0x4F000, s1  }
0xa: {  	s28 =	smul.u32 $0x4F00, s1;
	s29 =	sshll.u32 s1, $0x6;
	_ =	strace $0x80000050  }
0xb: {  	s9 =	smul.u32 $0x13C000, s7;
	s10 =	sshll.u32 s7, $0x4;
	s12 =	ssub.s32 $0x2, s7  }
0xc: {  	s7 =	smul.u32 $0x4F000, s7;
	s10 =	sor.u32 s1, s10;
	s25 =	sshrl.u32 s12, $0x1  }
0xd: {  	s26 =	sshrl.u32 s11, $0x2;
	s9 =	sadd.s32 s8, s9;
	s10 =	smul.u32 $0x4F00, s10  }
0xe: {  	s8 =	sshrl.u32 s8, $0x3;
	s12 =	ssub.s32 s12, s25;
	s14 =	sadd.s32 s26, s2  }
0xf: {  	s15 =	sadd.s32 s28, s7;
	s7 =	sor.u32 $0x1C05, s29;
	s25 =	simm.s32 $0x0  }
.Ltmp0:
0x10: {  	s9 =	sshrl.u32 s9, $0x3;
	s11 =	sadd.s32 $0x300, s15;
	(pc) =	sbr.rel .LBB2_1-.Ltmp0, $4  }
0x11: {  	s14 =	sshrl.u32 s14, $0x3;
	s13 =	sadd.s32 s9, s6;
	s6 =	sadd.s32 s4, s8  }
0x12: {  	s30 =	sshrl.u32 s10, $0x3;
	s31 =	sshrl.u32 s11, $0x3;
	s11 =	smax.u32 s12, $0x1  }
0x13: {  	s8 =	sadd.s32 s5, s30;
	s10 =	sadd.s32 $0x71A00, s13;
	s12 =	sadd.s32 s31, s5  }
0x14: {  	s13 =	sadd.s32 $0x200, s15;
	s15 =	simm.s32 $0x5;
	s9 =	sadd.s32 $0x20, s8  }
.LBB2_4:
0x15: {  	_ =	swait.ge [sflag:s21], $0x4000  }
0x16: {  	[sflag:s21] =	ssyncset.done $0x0  }
0x17: {  	[sflag:s21] =	ssyncadd.s32 $0xFFFFC000  }
0x18: {  	[spmem:s2] =	stream.indirect.scatter.add.f32 [tilespmem:s17], [sflag:$0x5], $0x80, s16, s16, $0xb8;
	[tilespmem:$0x1BE00] =	vst v63  }
0x19: {  	_ =	swait.ge [sflag:s15], $0x4000  }
0x1a: {  	s25 =	sadd.s32 $0x1, s25;
	[sflag:s15] =	ssyncset.done $0x0  }
0x1b: {  	p0 =	sne.s32 s25, s11;
	[sflag:s15] =	ssyncadd.s32 $0xFFFFC000  }
.Ltmp1:
0x1c: {  	[bflag:$0x0] =	sbarrier.arrive $0xFFFF;
	(pc) =	sbr.rel @!p0 .LBB2_5-.Ltmp1, $4  }
0x1d: {  	[hbm:s10], [sflag:s7] =	dma.local [spmem:s14], $0x2780  }
0x1e: {  	_ =	swait.ge [sflag:s15], $0x2780  }
0x1f: {  	[sflag:s15] =	ssyncset.done $0x0  }
0x20: {  	[sflag:s15] =	ssyncadd.s32 $0xFFFFD880  }
.LBB2_1:
0x21: {  	[spmem:s14], [sflag:s7] =	dma.local [hbm:s6], $0x2780  }
0x22: {  	_ =	swait.ge [sflag:s15], $0x2780  }
0x23: {  	[sflag:s15] =	ssyncset.done $0x0  }
0x24: {  	[sflag:s15] =	ssyncadd.s32 $0xFFFFD880  }
0x25: {  	[bflag:$0x0] =	sbarrier.arrive $0xFFFF  }
0x26: {  	[tilespmem:s3], [sflag:$0x5] =	stream.linear.gather [hbm4b:s8+s3], $0x100, $0x38;
	[tilespmem:$0x1BE00] =	vst v63  }
0x27: {  	_ =	swait.ge [sflag:s15], $0x100  }
0x28: {  	[sflag:s15] =	ssyncset.done $0x0  }
0x29: {  	[sflag:s15] =	ssyncadd.s32 $0xFFFFFF00  }
0x2a: {  	[tilespmem:s17], [sflag:$0x1] =	stream.indirect.gather [hbm4b:s4+s16], $0x80, s3, s16, $0xb8;
	[tilespmem:$0x1BE00] =	vst v63  }
0x2b: {  	s26 =	smov.u32 s13;
	s28 =	simm.s32 $0x0  }
0x2c: {  	[tilespmem:s18], [sflag:$0x4] =	stream.linear.gather [hbm4b:s9+s3], $0x100, $0x38;
	[tilespmem:$0x1BE00] =	vst v63  }
.LBB2_2:
0x2d: {  	_ =	swait.ge [sflag:s19], $0x100  }
0x2e: {  	[sflag:s19] =	ssyncset.done $0x0  }
0x2f: {  	[sflag:s19] =	ssyncadd.s32 $0xFFFFFF00  }
0x30: {  	[tilespmem:s20], [sflag:$0x2] =	stream.indirect.gather [hbm4b:s4+s16], $0x80, s18, s16, $0xb8;
	[tilespmem:$0x1BE00] =	vst v63  }
0x31: {  	_ =	swait.ge [sflag:s21], $0x4000  }
0x32: {  	[sflag:s21] =	ssyncset.done $0x0  }
0x33: {  	[sflag:s21] =	ssyncadd.s32 $0xFFFFC000  }
0x34: {  	[spmem:s2] =	stream.indirect.scatter.add.f32 [tilespmem:s17], [sflag:$0x5], $0x80, s16, s16, $0xb8;
	[tilespmem:$0x1BE00] =	vst v63  }
0x35: {  	_ =	swait.ge [sflag:s15], $0x4000  }
0x36: {  	s29 =	sshrl.u32 s26, $0x3;
	[sflag:s15] =	ssyncset.done $0x0  }
0x37: {  	s29 =	sadd.s32 s5, s29;
	[sflag:s15] =	ssyncadd.s32 $0xFFFFC000  }
0x38: {  	[tilespmem:s3], [sflag:$0x3] =	stream.linear.gather [hbm4b:s29+s3], $0x100, $0x38;
	[tilespmem:$0x1BE00] =	vst v63  }
0x39: {  	_ =	swait.ge [sflag:s22], $0x100  }
0x3a: {  	[sflag:s22] =	ssyncset.done $0x0  }
0x3b: {  	[sflag:s22] =	ssyncadd.s32 $0xFFFFFF00  }
0x3c: {  	[tilespmem:s17], [sflag:$0x1] =	stream.indirect.gather [hbm4b:s4+s16], $0x80, s3, s16, $0xb8;
	[tilespmem:$0x1BE00] =	vst v63  }
0x3d: {  	_ =	swait.ge [sflag:s23], $0x4000  }
0x3e: {  	p0 =	seq.s32 s28, $0x980;
	[sflag:s23] =	ssyncset.done $0x0  }
.Ltmp2:
0x3f: {  	[sflag:s23] =	ssyncadd.s32 $0xFFFFC000;
	(pc) =	sbr.rel @p0 .LBB2_4-.Ltmp2, $4  }
0x40: {  	[spmem:s2] =	stream.indirect.scatter.add.f32 [tilespmem:s20], [sflag:$0x5], $0x80, s24, s16, $0xb8;
	[tilespmem:$0x1BE00] =	vst v63  }
0x41: {  	_ =	swait.ge [sflag:s15], $0x4000  }
0x42: {  	[sflag:s15] =	ssyncset.done $0x0  }
0x43: {  	[sflag:s15] =	ssyncadd.s32 $0xFFFFC000  }
.Ltmp3:
0x44: {  	(pc) =	sbr.rel .LBB2_2-.Ltmp3, $3  }
0x45: {  	_ =	sdelay $0x1  }
0x46: {  	s29 =	sadd.s32 s28, s12;
	s28 =	sadd.s32 $0x40, s28;
	s26 =	sadd.s32 $0x200, s26  }
0x47: {  	[tilespmem:s18], [sflag:$0x4] =	stream.linear.gather [hbm4b:s29+s3], $0x100, $0x38;
	[tilespmem:$0x1BE00] =	vst v63  }
.LBB2_5:
0x48: {  	_ =	sfence.sel $0x180000  }
0x49: {  	[bflag:$0x0] =	sbarrier.arrive $0xFFFF  }
0x4a: {  	p0 =	sne.s32 s1, $0x0;
	_ =	strace $0x90000050  }
0x4b: {  	s0 =	sadd.s32 @!p0 $0x100000, s0;
	[bflag:$0x2] =	sbarrier.arrive $0xFFFF  }
0x4c: {  	[sflag:s0] =	ssyncadd.tile.s32 @!p0 $0x1;
	_ =	shalt  }
.Lfunc_end2:
_tile_overlayer_lowered:
.L_overlay_start_2:
0x4d: {  	(tag) =	ssettag $0x2  }
0x4e: {  	s0 =	rddreg [dreg:$0x0];
	s2 =	stileid.u32  }
0x4f: {  	s1 =	rddreg [dreg:$0x1];
	p0 =	sne.s32 s2, $0x0  }
0x50: {  	s3 =	rddreg [dreg:$0x2];
	[bflag:$0x3] =	sbarrier.arrive $0xFFFF;
	s2 =	simm.s32 @!p0 $0x1C05  }
0x51: {  	[timem:s3], [sflag:s2] =	dma.local @!p0 [hbm:s0], s1  }
0x52: {  	s0 =	simm.s32 @!p0 $0x5  }
0x53: {  	_ =	swait.ge @!p0 [sflag:s0], s1  }
0x54: {  	s1 =	ssub.s32 @!p0 $0x0, s1;
	[sflag:s0] =	ssyncset.done @!p0 $0x0  }
0x55: {  	[sflag:s0] =	ssyncadd.s32 @!p0 s1  }
0x56: {  	[bflag:$0x3] =	sbarrier.arrive $0xFFFF  }
0x57: {  	_ =	shalt  }

</sc_bundles>
